<compile_context>
chip_gen: v7x
topology: tpu7x:2x2x1
jax: 0.10.2.dev20260603
libtpu: 0.0.44.dev20260713+nightly
codegen_flags: <defaults>
</compile_context>

<pallas_src>
import functools

import jax
import jax.numpy as jnp
from jax import lax
from jax.experimental import pallas as pl
from jax.experimental.pallas import tpu as pltpu
from jax.experimental.pallas import tpu_sc as plsc

_F = 26
_FDIM = 100000
_B = 16384
_NW = 32
_BPW = _B // _NW
_IPW = _BPW * _F


def _sc_kernel(x_hbm, t_hbm, bias_hbm, out_hbm, idx_v, val_v, bias_v, o_v,
               semx, semg):
    info = plsc.get_sparse_core_info()
    nc = info.num_cores
    wid = lax.axis_index("s") * nc + lax.axis_index("c")
    base = wid * _BPW

    xcopies = [
        pltpu.async_copy(
            x_hbm.at[pl.ds(f * _B + base, _BPW)],
            idx_v.at[pl.ds(f * _BPW, _BPW)],
            semx,
        )
        for f in range(_F)
    ]
    pltpu.sync_copy(bias_hbm, bias_v)
    biasv = bias_v[...]

    for c in xcopies:
        c.wait()

    gathers = [
        pltpu.async_copy(
            t_hbm.at[pl.ds(f * _FDIM, _FDIM)].at[
                idx_v.at[pl.ds(f * _BPW, _BPW)]],
            val_v.at[pl.ds(f * _BPW, _BPW)],
            semg,
        )
        for f in range(_F)
    ]
    for g in gathers:
        g.wait()

    def acc(cb, carry):
        b0 = cb * 16
        a = biasv
        for f in range(_F):
            a = a + val_v[pl.ds(f * _BPW + b0, 16)]
        o_v[pl.ds(b0, 16)] = a
        return carry

    lax.fori_loop(0, _BPW // 16, acc, 0)

    pltpu.sync_copy(o_v, out_hbm.at[pl.ds(base, _BPW)])


def kernel(x, table, bias):
    xt_flat = x.astype(jnp.int32).T.reshape(-1)
    tflat = table.reshape(-1)
    bias16 = jnp.broadcast_to(bias.astype(jnp.float32), (16,))

    mesh = plsc.VectorSubcoreMesh(core_axis_name="c", subcore_axis_name="s")
    run = functools.partial(
        pl.kernel,
        out_type=jax.ShapeDtypeStruct((_B,), jnp.float32),
        mesh=mesh,
        scratch_types=[
            pltpu.VMEM((_IPW,), jnp.int32),
            pltpu.VMEM((_IPW,), jnp.float32),
            pltpu.VMEM((16,), jnp.float32),
            pltpu.VMEM((_BPW,), jnp.float32),
            pltpu.SemaphoreType.DMA,
            pltpu.SemaphoreType.DMA,
        ],
    )(_sc_kernel)
    out = run(xt_flat, tflat, bias16)
    return out.reshape(_B, 1)

# --- scband reference (transcript-rebuilt; emitter-appended) ---
"""Pipeline reference for scband-features-linear-80719615361421 (READ-ONLY COPY).

The authoritative reference and input builder live on the scoring server;
editing this copy changes nothing except your own understanding.
"""

import jax, jax.numpy as jnp
import numpy as np

FIELD_DIMS = [100000] * 26
OUTPUT_DIM = 1
BATCH = 16384


def setup_inputs(seed: int = 0) -> dict:
    key = jax.random.key(seed)
    k1, k2, k3 = jax.random.split(key, 3)
    x = jax.random.randint(k1, (BATCH, len(FIELD_DIMS)), 0, 100000, dtype=jnp.int64) if jax.config.jax_enable_x64 else jax.random.randint(k1, (BATCH, len(FIELD_DIMS)), 0, 100000, dtype=jnp.int32)
    total = sum(FIELD_DIMS)
    # torch.nn.Embedding default init: N(0, 1)
    table = jax.random.normal(k2, (total, OUTPUT_DIM), dtype=jnp.float32)
    # bias initialized uniform_(0, 0) -> zeros
    bias = jnp.zeros((OUTPUT_DIM,), dtype=jnp.float32)
    return {"x": x, "table": table, "bias": bias}


def reference(x, table, bias):
    offsets = jnp.asarray(np.array((0, *np.cumsum(FIELD_DIMS)[:-1]), dtype=np.int64), dtype=x.dtype)
    idx = x + offsets[None, :]  # (B, F)
    emb = jnp.take(table, idx, axis=0)  # (B, F, output_dim)
    out = jnp.sum(emb, axis=1) + bias  # (B, output_dim)
    return out

if __name__ == "__main__":
    import jax
    _d = setup_inputs()
    print(jax.jit(kernel)(*tuple(_d.values())))

</pallas_src>

<mosaic_0001>
#map = affine_map<(d0, d1) -> (0)>
module attributes {stable_mosaic.version = 14 : i64} {
  func.func @_sc_kernel(%arg0: i32, %arg1: i32, %arg2: memref<425984xi32, #tpu.memory_space<hbm>>, %arg3: memref<2600000xf32, #tpu.memory_space<hbm>>, %arg4: memref<16xf32, #tpu.memory_space<hbm>>, %arg5: memref<16384xf32, #tpu.memory_space<hbm>>, %arg6: memref<13312xi32, #tpu.memory_space<vmem>>, %arg7: memref<13312xf32, #tpu.memory_space<vmem>>, %arg8: memref<16xf32, #tpu.memory_space<vmem>>, %arg9: memref<512xf32, #tpu.memory_space<vmem>>, %arg10: memref<!tpu.dma_semaphore, #tpu.memory_space<semaphore_mem>>, %arg11: memref<!tpu.dma_semaphore, #tpu.memory_space<semaphore_mem>>) attributes {dimension_semantics = [#tpu.dimension_semantics<core_parallel>, #tpu.dimension_semantics<subcore_parallel>], iteration_bounds = array<i64: 2, 16>, scalar_prefetch = 0 : i64, scratch_operands = 6 : i64, tpu.core_type = #tpu.core_type<sc_vector_subcore>, window_params = [{transform_indices = #map}, {transform_indices = #map}, {transform_indices = #map}, {transform_indices = #map}]} {
    %mul3A = arith.constant 2 : i32
    %mul3A_0 = arith.muli %arg1, %mul3A : i32
    %add3A = arith.addi %mul3A_0, %arg0 : i32
    %mul3A_1 = arith.constant 512 : i32
    %mul3A_2 = arith.muli %add3A, %mul3A_1 : i32
    %add3A_3 = arith.constant 0 : i32
    %add3A_4 = arith.addi %add3A_3, %mul3A_2 : i32
    %dma_start3A = arith.constant 0 : i32
    %dma_start3A_5 = tpu.memref_slice %arg6[%dma_start3A] : memref<13312xi32, #tpu.memory_space<vmem>> -> memref<512xi32, #tpu.memory_space<vmem>>
    %dma_start3A_6 = tpu.memref_slice %arg2[%add3A_4] : memref<425984xi32, #tpu.memory_space<hbm>> -> memref<512xi32, #tpu.memory_space<hbm>>
    %dma_start3A_7 = arith.constant 0 : i32
    %dma_start3A_8 = tpu.memref_slice %arg6[%dma_start3A_7] : memref<13312xi32, #tpu.memory_space<vmem>> -> memref<512xi32, #tpu.memory_space<vmem>>
    %dma_start3A_9 = tpu.memref_slice %arg2[%add3A_4] : memref<425984xi32, #tpu.memory_space<hbm>> -> memref<512xi32, #tpu.memory_space<hbm>>
    tpu.enqueue_dma source(%dma_start3A_9 : memref<512xi32, #tpu.memory_space<hbm>>) target(%dma_start3A_8 : memref<512xi32, #tpu.memory_space<vmem>>) target_semaphore(%arg10 : memref<!tpu.dma_semaphore, #tpu.memory_space<semaphore_mem>>)
    %add3A_10 = arith.constant 16384 : i32
    %add3A_11 = arith.addi %add3A_10, %mul3A_2 : i32
    %dma_start3A_12 = arith.constant 512 : i32
    %dma_start3A_13 = tpu.memref_slice %arg6[%dma_start3A_12] : memref<13312xi32, #tpu.memory_space<vmem>> -> memref<512xi32, #tpu.memory_space<vmem>>
    %dma_start3A_14 = tpu.memref_slice %arg2[%add3A_11] : memref<425984xi32, #tpu.memory_space<hbm>> -> memref<512xi32, #tpu.memory_space<hbm>>
    %dma_start3A_15 = arith.constant 512 : i32
    %dma_start3A_16 = tpu.memref_slice %arg6[%dma_start3A_15] : memref<13312xi32, #tpu.memory_space<vmem>> -> memref<512xi32, #tpu.memory_space<vmem>>
    %dma_start3A_17 = tpu.memref_slice %arg2[%add3A_11] : memref<425984xi32, #tpu.memory_space<hbm>> -> memref<512xi32, #tpu.memory_space<hbm>>
    tpu.enqueue_dma source(%dma_start3A_17 : memref<512xi32, #tpu.memory_space<hbm>>) target(%dma_start3A_16 : memref<512xi32, #tpu.memory_space<vmem>>) target_semaphore(%arg10 : memref<!tpu.dma_semaphore, #tpu.memory_space<semaphore_mem>>)
    %add3A_18 = arith.constant 32768 : i32
    %add3A_19 = arith.addi %add3A_18, %mul3A_2 : i32
    %dma_start3A_20 = arith.constant 1024 : i32
    %dma_start3A_21 = tpu.memref_slice %arg6[%dma_start3A_20] : memref<13312xi32, #tpu.memory_space<vmem>> -> memref<512xi32, #tpu.memory_space<vmem>>
    %dma_start3A_22 = tpu.memref_slice %arg2[%add3A_19] : memref<425984xi32, #tpu.memory_space<hbm>> -> memref<512xi32, #tpu.memory_space<hbm>>
    %dma_start3A_23 = arith.constant 1024 : i32
    %dma_start3A_24 = tpu.memref_slice %arg6[%dma_start3A_23] : memref<13312xi32, #tpu.memory_space<vmem>> -> memref<512xi32, #tpu.memory_space<vmem>>
    %dma_start3A_25 = tpu.memref_slice %arg2[%add3A_19] : memref<425984xi32, #tpu.memory_space<hbm>> -> memref<512xi32, #tpu.memory_space<hbm>>
    tpu.enqueue_dma source(%dma_start3A_25 : memref<512xi32, #tpu.memory_space<hbm>>) target(%dma_start3A_24 : memref<512xi32, #tpu.memory_space<vmem>>) target_semaphore(%arg10 : memref<!tpu.dma_semaphore, #tpu.memory_space<semaphore_mem>>)
    %add3A_26 = arith.constant 49152 : i32
    %add3A_27 = arith.addi %add3A_26, %mul3A_2 : i32
    %dma_start3A_28 = arith.constant 1536 : i32
    %dma_start3A_29 = tpu.memref_slice %arg6[%dma_start3A_28] : memref<13312xi32, #tpu.memory_space<vmem>> -> memref<512xi32, #tpu.memory_space<vmem>>
    %dma_start3A_30 = tpu.memref_slice %arg2[%add3A_27] : memref<425984xi32, #tpu.memory_space<hbm>> -> memref<512xi32, #tpu.memory_space<hbm>>
    %dma_start3A_31 = arith.constant 1536 : i32
    %dma_start3A_32 = tpu.memref_slice %arg6[%dma_start3A_31] : memref<13312xi32, #tpu.memory_space<vmem>> -> memref<512xi32, #tpu.memory_space<vmem>>
    %dma_start3A_33 = tpu.memref_slice %arg2[%add3A_27] : memref<425984xi32, #tpu.memory_space<hbm>> -> memref<512xi32, #tpu.memory_space<hbm>>
    tpu.enqueue_dma source(%dma_start3A_33 : memref<512xi32, #tpu.memory_space<hbm>>) target(%dma_start3A_32 : memref<512xi32, #tpu.memory_space<vmem>>) target_semaphore(%arg10 : memref<!tpu.dma_semaphore, #tpu.memory_space<semaphore_mem>>)
    %add3A_34 = arith.constant 65536 : i32
    %add3A_35 = arith.addi %add3A_34, %mul3A_2 : i32
    %dma_start3A_36 = arith.constant 2048 : i32
    %dma_start3A_37 = tpu.memref_slice %arg6[%dma_start3A_36] : memref<13312xi32, #tpu.memory_space<vmem>> -> memref<512xi32, #tpu.memory_space<vmem>>
    %dma_start3A_38 = tpu.memref_slice %arg2[%add3A_35] : memref<425984xi32, #tpu.memory_space<hbm>> -> memref<512xi32, #tpu.memory_space<hbm>>
    %dma_start3A_39 = arith.constant 2048 : i32
    %dma_start3A_40 = tpu.memref_slice %arg6[%dma_start3A_39] : memref<13312xi32, #tpu.memory_space<vmem>> -> memref<512xi32, #tpu.memory_space<vmem>>
    %dma_start3A_41 = tpu.memref_slice %arg2[%add3A_35] : memref<425984xi32, #tpu.memory_space<hbm>> -> memref<512xi32, #tpu.memory_space<hbm>>
    tpu.enqueue_dma source(%dma_start3A_41 : memref<512xi32, #tpu.memory_space<hbm>>) target(%dma_start3A_40 : memref<512xi32, #tpu.memory_space<vmem>>) target_semaphore(%arg10 : memref<!tpu.dma_semaphore, #tpu.memory_space<semaphore_mem>>)
    %add3A_42 = arith.constant 81920 : i32
    %add3A_43 = arith.addi %add3A_42, %mul3A_2 : i32
    %dma_start3A_44 = arith.constant 2560 : i32
    %dma_start3A_45 = tpu.memref_slice %arg6[%dma_start3A_44] : memref<13312xi32, #tpu.memory_space<vmem>> -> memref<512xi32, #tpu.memory_space<vmem>>
    %dma_start3A_46 = tpu.memref_slice %arg2[%add3A_43] : memref<425984xi32, #tpu.memory_space<hbm>> -> memref<512xi32, #tpu.memory_space<hbm>>
    %dma_start3A_47 = arith.constant 2560 : i32
    %dma_start3A_48 = tpu.memref_slice %arg6[%dma_start3A_47] : memref<13312xi32, #tpu.memory_space<vmem>> -> memref<512xi32, #tpu.memory_space<vmem>>
    %dma_start3A_49 = tpu.memref_slice %arg2[%add3A_43] : memref<425984xi32, #tpu.memory_space<hbm>> -> memref<512xi32, #tpu.memory_space<hbm>>
    tpu.enqueue_dma source(%dma_start3A_49 : memref<512xi32, #tpu.memory_space<hbm>>) target(%dma_start3A_48 : memref<512xi32, #tpu.memory_space<vmem>>) target_semaphore(%arg10 : memref<!tpu.dma_semaphore, #tpu.memory_space<semaphore_mem>>)
    %add3A_50 = arith.constant 98304 : i32
    %add3A_51 = arith.addi %add3A_50, %mul3A_2 : i32
    %dma_start3A_52 = arith.constant 3072 : i32
    %dma_start3A_53 = tpu.memref_slice %arg6[%dma_start3A_52] : memref<13312xi32, #tpu.memory_space<vmem>> -> memref<512xi32, #tpu.memory_space<vmem>>
    %dma_start3A_54 = tpu.memref_slice %arg2[%add3A_51] : memref<425984xi32, #tpu.memory_space<hbm>> -> memref<512xi32, #tpu.memory_space<hbm>>
    %dma_start3A_55 = arith.constant 3072 : i32
    %dma_start3A_56 = tpu.memref_slice %arg6[%dma_start3A_55] : memref<13312xi32, #tpu.memory_space<vmem>> -> memref<512xi32, #tpu.memory_space<vmem>>
    %dma_start3A_57 = tpu.memref_slice %arg2[%add3A_51] : memref<425984xi32, #tpu.memory_space<hbm>> -> memref<512xi32, #tpu.memory_space<hbm>>
    tpu.enqueue_dma source(%dma_start3A_57 : memref<512xi32, #tpu.memory_space<hbm>>) target(%dma_start3A_56 : memref<512xi32, #tpu.memory_space<vmem>>) target_semaphore(%arg10 : memref<!tpu.dma_semaphore, #tpu.memory_space<semaphore_mem>>)
    %add3A_58 = arith.constant 114688 : i32
    %add3A_59 = arith.addi %add3A_58, %mul3A_2 : i32
    %dma_start3A_60 = arith.constant 3584 : i32
    %dma_start3A_61 = tpu.memref_slice %arg6[%dma_start3A_60] : memref<13312xi32, #tpu.memory_space<vmem>> -> memref<512xi32, #tpu.memory_space<vmem>>
    %dma_start3A_62 = tpu.memref_slice %arg2[%add3A_59] : memref<425984xi32, #tpu.memory_space<hbm>> -> memref<512xi32, #tpu.memory_space<hbm>>
    %dma_start3A_63 = arith.constant 3584 : i32
    %dma_start3A_64 = tpu.memref_slice %arg6[%dma_start3A_63] : memref<13312xi32, #tpu.memory_space<vmem>> -> memref<512xi32, #tpu.memory_space<vmem>>
    %dma_start3A_65 = tpu.memref_slice %arg2[%add3A_59] : memref<425984xi32, #tpu.memory_space<hbm>> -> memref<512xi32, #tpu.memory_space<hbm>>
    tpu.enqueue_dma source(%dma_start3A_65 : memref<512xi32, #tpu.memory_space<hbm>>) target(%dma_start3A_64 : memref<512xi32, #tpu.memory_space<vmem>>) target_semaphore(%arg10 : memref<!tpu.dma_semaphore, #tpu.memory_space<semaphore_mem>>)
    %add3A_66 = arith.constant 131072 : i32
    %add3A_67 = arith.addi %add3A_66, %mul3A_2 : i32
    %dma_start3A_68 = arith.constant 4096 : i32
    %dma_start3A_69 = tpu.memref_slice %arg6[%dma_start3A_68] : memref<13312xi32, #tpu.memory_space<vmem>> -> memref<512xi32, #tpu.memory_space<vmem>>
    %dma_start3A_70 = tpu.memref_slice %arg2[%add3A_67] : memref<425984xi32, #tpu.memory_space<hbm>> -> memref<512xi32, #tpu.memory_space<hbm>>
    %dma_start3A_71 = arith.constant 4096 : i32
    %dma_start3A_72 = tpu.memref_slice %arg6[%dma_start3A_71] : memref<13312xi32, #tpu.memory_space<vmem>> -> memref<512xi32, #tpu.memory_space<vmem>>
    %dma_start3A_73 = tpu.memref_slice %arg2[%add3A_67] : memref<425984xi32, #tpu.memory_space<hbm>> -> memref<512xi32, #tpu.memory_space<hbm>>
    tpu.enqueue_dma source(%dma_start3A_73 : memref<512xi32, #tpu.memory_space<hbm>>) target(%dma_start3A_72 : memref<512xi32, #tpu.memory_space<vmem>>) target_semaphore(%arg10 : memref<!tpu.dma_semaphore, #tpu.memory_space<semaphore_mem>>)
    %add3A_74 = arith.constant 147456 : i32
    %add3A_75 = arith.addi %add3A_74, %mul3A_2 : i32
    %dma_start3A_76 = arith.constant 4608 : i32
    %dma_start3A_77 = tpu.memref_slice %arg6[%dma_start3A_76] : memref<13312xi32, #tpu.memory_space<vmem>> -> memref<512xi32, #tpu.memory_space<vmem>>
    %dma_start3A_78 = tpu.memref_slice %arg2[%add3A_75] : memref<425984xi32, #tpu.memory_space<hbm>> -> memref<512xi32, #tpu.memory_space<hbm>>
    %dma_start3A_79 = arith.constant 4608 : i32
    %dma_start3A_80 = tpu.memref_slice %arg6[%dma_start3A_79] : memref<13312xi32, #tpu.memory_space<vmem>> -> memref<512xi32, #tpu.memory_space<vmem>>
    %dma_start3A_81 = tpu.memref_slice %arg2[%add3A_75] : memref<425984xi32, #tpu.memory_space<hbm>> -> memref<512xi32, #tpu.memory_space<hbm>>
    tpu.enqueue_dma source(%dma_start3A_81 : memref<512xi32, #tpu.memory_space<hbm>>) target(%dma_start3A_80 : memref<512xi32, #tpu.memory_space<vmem>>) target_semaphore(%arg10 : memref<!tpu.dma_semaphore, #tpu.memory_space<semaphore_mem>>)
    %add3A_82 = arith.constant 163840 : i32
    %add3A_83 = arith.addi %add3A_82, %mul3A_2 : i32
    %dma_start3A_84 = arith.constant 5120 : i32
    %dma_start3A_85 = tpu.memref_slice %arg6[%dma_start3A_84] : memref<13312xi32, #tpu.memory_space<vmem>> -> memref<512xi32, #tpu.memory_space<vmem>>
    %dma_start3A_86 = tpu.memref_slice %arg2[%add3A_83] : memref<425984xi32, #tpu.memory_space<hbm>> -> memref<512xi32, #tpu.memory_space<hbm>>
    %dma_start3A_87 = arith.constant 5120 : i32
    %dma_start3A_88 = tpu.memref_slice %arg6[%dma_start3A_87] : memref<13312xi32, #tpu.memory_space<vmem>> -> memref<512xi32, #tpu.memory_space<vmem>>
    %dma_start3A_89 = tpu.memref_slice %arg2[%add3A_83] : memref<425984xi32, #tpu.memory_space<hbm>> -> memref<512xi32, #tpu.memory_space<hbm>>
    tpu.enqueue_dma source(%dma_start3A_89 : memref<512xi32, #tpu.memory_space<hbm>>) target(%dma_start3A_88 : memref<512xi32, #tpu.memory_space<vmem>>) target_semaphore(%arg10 : memref<!tpu.dma_semaphore, #tpu.memory_space<semaphore_mem>>)
    %add3A_90 = arith.constant 180224 : i32
    %add3A_91 = arith.addi %add3A_90, %mul3A_2 : i32
    %dma_start3A_92 = arith.constant 5632 : i32
    %dma_start3A_93 = tpu.memref_slice %arg6[%dma_start3A_92] : memref<13312xi32, #tpu.memory_space<vmem>> -> memref<512xi32, #tpu.memory_space<vmem>>
    %dma_start3A_94 = tpu.memref_slice %arg2[%add3A_91] : memref<425984xi32, #tpu.memory_space<hbm>> -> memref<512xi32, #tpu.memory_space<hbm>>
    %dma_start3A_95 = arith.constant 5632 : i32
    %dma_start3A_96 = tpu.memref_slice %arg6[%dma_start3A_95] : memref<13312xi32, #tpu.memory_space<vmem>> -> memref<512xi32, #tpu.memory_space<vmem>>
    %dma_start3A_97 = tpu.memref_slice %arg2[%add3A_91] : memref<425984xi32, #tpu.memory_space<hbm>> -> memref<512xi32, #tpu.memory_space<hbm>>
    tpu.enqueue_dma source(%dma_start3A_97 : memref<512xi32, #tpu.memory_space<hbm>>) target(%dma_start3A_96 : memref<512xi32, #tpu.memory_space<vmem>>) target_semaphore(%arg10 : memref<!tpu.dma_semaphore, #tpu.memory_space<semaphore_mem>>)
    %add3A_98 = arith.constant 196608 : i32
    %add3A_99 = arith.addi %add3A_98, %mul3A_2 : i32
    %dma_start3A_100 = arith.constant 6144 : i32
    %dma_start3A_101 = tpu.memref_slice %arg6[%dma_start3A_100] : memref<13312xi32, #tpu.memory_space<vmem>> -> memref<512xi32, #tpu.memory_space<vmem>>
    %dma_start3A_102 = tpu.memref_slice %arg2[%add3A_99] : memref<425984xi32, #tpu.memory_space<hbm>> -> memref<512xi32, #tpu.memory_space<hbm>>
    %dma_start3A_103 = arith.constant 6144 : i32
    %dma_start3A_104 = tpu.memref_slice %arg6[%dma_start3A_103] : memref<13312xi32, #tpu.memory_space<vmem>> -> memref<512xi32, #tpu.memory_space<vmem>>
    %dma_start3A_105 = tpu.memref_slice %arg2[%add3A_99] : memref<425984xi32, #tpu.memory_space<hbm>> -> memref<512xi32, #tpu.memory_space<hbm>>
    tpu.enqueue_dma source(%dma_start3A_105 : memref<512xi32, #tpu.memory_space<hbm>>) target(%dma_start3A_104 : memref<512xi32, #tpu.memory_space<vmem>>) target_semaphore(%arg10 : memref<!tpu.dma_semaphore, #tpu.memory_space<semaphore_mem>>)
    %add3A_106 = arith.constant 212992 : i32
    %add3A_107 = arith.addi %add3A_106, %mul3A_2 : i32
    %dma_start3A_108 = arith.constant 6656 : i32
    %dma_start3A_109 = tpu.memref_slice %arg6[%dma_start3A_108] : memref<13312xi32, #tpu.memory_space<vmem>> -> memref<512xi32, #tpu.memory_space<vmem>>
    %dma_start3A_110 = tpu.memref_slice %arg2[%add3A_107] : memref<425984xi32, #tpu.memory_space<hbm>> -> memref<512xi32, #tpu.memory_space<hbm>>
    %dma_start3A_111 = arith.constant 6656 : i32
    %dma_start3A_112 = tpu.memref_slice %arg6[%dma_start3A_111] : memref<13312xi32, #tpu.memory_space<vmem>> -> memref<512xi32, #tpu.memory_space<vmem>>
    %dma_start3A_113 = tpu.memref_slice %arg2[%add3A_107] : memref<425984xi32, #tpu.memory_space<hbm>> -> memref<512xi32, #tpu.memory_space<hbm>>
    tpu.enqueue_dma source(%dma_start3A_113 : memref<512xi32, #tpu.memory_space<hbm>>) target(%dma_start3A_112 : memref<512xi32, #tpu.memory_space<vmem>>) target_semaphore(%arg10 : memref<!tpu.dma_semaphore, #tpu.memory_space<semaphore_mem>>)
    %add3A_114 = arith.constant 229376 : i32
    %add3A_115 = arith.addi %add3A_114, %mul3A_2 : i32
    %dma_start3A_116 = arith.constant 7168 : i32
    %dma_start3A_117 = tpu.memref_slice %arg6[%dma_start3A_116] : memref<13312xi32, #tpu.memory_space<vmem>> -> memref<512xi32, #tpu.memory_space<vmem>>
    %dma_start3A_118 = tpu.memref_slice %arg2[%add3A_115] : memref<425984xi32, #tpu.memory_space<hbm>> -> memref<512xi32, #tpu.memory_space<hbm>>
    %dma_start3A_119 = arith.constant 7168 : i32
    %dma_start3A_120 = tpu.memref_slice %arg6[%dma_start3A_119] : memref<13312xi32, #tpu.memory_space<vmem>> -> memref<512xi32, #tpu.memory_space<vmem>>
    %dma_start3A_121 = tpu.memref_slice %arg2[%add3A_115] : memref<425984xi32, #tpu.memory_space<hbm>> -> memref<512xi32, #tpu.memory_space<hbm>>
    tpu.enqueue_dma source(%dma_start3A_121 : memref<512xi32, #tpu.memory_space<hbm>>) target(%dma_start3A_120 : memref<512xi32, #tpu.memory_space<vmem>>) target_semaphore(%arg10 : memref<!tpu.dma_semaphore, #tpu.memory_space<semaphore_mem>>)
    %add3A_122 = arith.constant 245760 : i32
    %add3A_123 = arith.addi %add3A_122, %mul3A_2 : i32
    %dma_start3A_124 = arith.constant 7680 : i32
    %dma_start3A_125 = tpu.memref_slice %arg6[%dma_start3A_124] : memref<13312xi32, #tpu.memory_space<vmem>> -> memref<512xi32, #tpu.memory_space<vmem>>
    %dma_start3A_126 = tpu.memref_slice %arg2[%add3A_123] : memref<425984xi32, #tpu.memory_space<hbm>> -> memref<512xi32, #tpu.memory_space<hbm>>
    %dma_start3A_127 = arith.constant 7680 : i32
    %dma_start3A_128 = tpu.memref_slice %arg6[%dma_start3A_127] : memref<13312xi32, #tpu.memory_space<vmem>> -> memref<512xi32, #tpu.memory_space<vmem>>
    %dma_start3A_129 = tpu.memref_slice %arg2[%add3A_123] : memref<425984xi32, #tpu.memory_space<hbm>> -> memref<512xi32, #tpu.memory_space<hbm>>
    tpu.enqueue_dma source(%dma_start3A_129 : memref<512xi32, #tpu.memory_space<hbm>>) target(%dma_start3A_128 : memref<512xi32, #tpu.memory_space<vmem>>) target_semaphore(%arg10 : memref<!tpu.dma_semaphore, #tpu.memory_space<semaphore_mem>>)
    %add3A_130 = arith.constant 262144 : i32
    %add3A_131 = arith.addi %add3A_130, %mul3A_2 : i32
    %dma_start3A_132 = arith.constant 8192 : i32
    %dma_start3A_133 = tpu.memref_slice %arg6[%dma_start3A_132] : memref<13312xi32, #tpu.memory_space<vmem>> -> memref<512xi32, #tpu.memory_space<vmem>>
    %dma_start3A_134 = tpu.memref_slice %arg2[%add3A_131] : memref<425984xi32, #tpu.memory_space<hbm>> -> memref<512xi32, #tpu.memory_space<hbm>>
    %dma_start3A_135 = arith.constant 8192 : i32
    %dma_start3A_136 = tpu.memref_slice %arg6[%dma_start3A_135] : memref<13312xi32, #tpu.memory_space<vmem>> -> memref<512xi32, #tpu.memory_space<vmem>>
    %dma_start3A_137 = tpu.memref_slice %arg2[%add3A_131] : memref<425984xi32, #tpu.memory_space<hbm>> -> memref<512xi32, #tpu.memory_space<hbm>>
    tpu.enqueue_dma source(%dma_start3A_137 : memref<512xi32, #tpu.memory_space<hbm>>) target(%dma_start3A_136 : memref<512xi32, #tpu.memory_space<vmem>>) target_semaphore(%arg10 : memref<!tpu.dma_semaphore, #tpu.memory_space<semaphore_mem>>)
    %add3A_138 = arith.constant 278528 : i32
    %add3A_139 = arith.addi %add3A_138, %mul3A_2 : i32
    %dma_start3A_140 = arith.constant 8704 : i32
    %dma_start3A_141 = tpu.memref_slice %arg6[%dma_start3A_140] : memref<13312xi32, #tpu.memory_space<vmem>> -> memref<512xi32, #tpu.memory_space<vmem>>
    %dma_start3A_142 = tpu.memref_slice %arg2[%add3A_139] : memref<425984xi32, #tpu.memory_space<hbm>> -> memref<512xi32, #tpu.memory_space<hbm>>
    %dma_start3A_143 = arith.constant 8704 : i32
    %dma_start3A_144 = tpu.memref_slice %arg6[%dma_start3A_143] : memref<13312xi32, #tpu.memory_space<vmem>> -> memref<512xi32, #tpu.memory_space<vmem>>
    %dma_start3A_145 = tpu.memref_slice %arg2[%add3A_139] : memref<425984xi32, #tpu.memory_space<hbm>> -> memref<512xi32, #tpu.memory_space<hbm>>
    tpu.enqueue_dma source(%dma_start3A_145 : memref<512xi32, #tpu.memory_space<hbm>>) target(%dma_start3A_144 : memref<512xi32, #tpu.memory_space<vmem>>) target_semaphore(%arg10 : memref<!tpu.dma_semaphore, #tpu.memory_space<semaphore_mem>>)
    %add3A_146 = arith.constant 294912 : i32
    %add3A_147 = arith.addi %add3A_146, %mul3A_2 : i32
    %dma_start3A_148 = arith.constant 9216 : i32
    %dma_start3A_149 = tpu.memref_slice %arg6[%dma_start3A_148] : memref<13312xi32, #tpu.memory_space<vmem>> -> memref<512xi32, #tpu.memory_space<vmem>>
    %dma_start3A_150 = tpu.memref_slice %arg2[%add3A_147] : memref<425984xi32, #tpu.memory_space<hbm>> -> memref<512xi32, #tpu.memory_space<hbm>>
    %dma_start3A_151 = arith.constant 9216 : i32
    %dma_start3A_152 = tpu.memref_slice %arg6[%dma_start3A_151] : memref<13312xi32, #tpu.memory_space<vmem>> -> memref<512xi32, #tpu.memory_space<vmem>>
    %dma_start3A_153 = tpu.memref_slice %arg2[%add3A_147] : memref<425984xi32, #tpu.memory_space<hbm>> -> memref<512xi32, #tpu.memory_space<hbm>>
    tpu.enqueue_dma source(%dma_start3A_153 : memref<512xi32, #tpu.memory_space<hbm>>) target(%dma_start3A_152 : memref<512xi32, #tpu.memory_space<vmem>>) target_semaphore(%arg10 : memref<!tpu.dma_semaphore, #tpu.memory_space<semaphore_mem>>)
    %add3A_154 = arith.constant 311296 : i32
    %add3A_155 = arith.addi %add3A_154, %mul3A_2 : i32
    %dma_start3A_156 = arith.constant 9728 : i32
    %dma_start3A_157 = tpu.memref_slice %arg6[%dma_start3A_156] : memref<13312xi32, #tpu.memory_space<vmem>> -> memref<512xi32, #tpu.memory_space<vmem>>
    %dma_start3A_158 = tpu.memref_slice %arg2[%add3A_155] : memref<425984xi32, #tpu.memory_space<hbm>> -> memref<512xi32, #tpu.memory_space<hbm>>
    %dma_start3A_159 = arith.constant 9728 : i32
    %dma_start3A_160 = tpu.memref_slice %arg6[%dma_start3A_159] : memref<13312xi32, #tpu.memory_space<vmem>> -> memref<512xi32, #tpu.memory_space<vmem>>
    %dma_start3A_161 = tpu.memref_slice %arg2[%add3A_155] : memref<425984xi32, #tpu.memory_space<hbm>> -> memref<512xi32, #tpu.memory_space<hbm>>
    tpu.enqueue_dma source(%dma_start3A_161 : memref<512xi32, #tpu.memory_space<hbm>>) target(%dma_start3A_160 : memref<512xi32, #tpu.memory_space<vmem>>) target_semaphore(%arg10 : memref<!tpu.dma_semaphore, #tpu.memory_space<semaphore_mem>>)
    %add3A_162 = arith.constant 327680 : i32
    %add3A_163 = arith.addi %add3A_162, %mul3A_2 : i32
    %dma_start3A_164 = arith.constant 10240 : i32
    %dma_start3A_165 = tpu.memref_slice %arg6[%dma_start3A_164] : memref<13312xi32, #tpu.memory_space<vmem>> -> memref<512xi32, #tpu.memory_space<vmem>>
    %dma_start3A_166 = tpu.memref_slice %arg2[%add3A_163] : memref<425984xi32, #tpu.memory_space<hbm>> -> memref<512xi32, #tpu.memory_space<hbm>>
    %dma_start3A_167 = arith.constant 10240 : i32
    %dma_start3A_168 = tpu.memref_slice %arg6[%dma_start3A_167] : memref<13312xi32, #tpu.memory_space<vmem>> -> memref<512xi32, #tpu.memory_space<vmem>>
    %dma_start3A_169 = tpu.memref_slice %arg2[%add3A_163] : memref<425984xi32, #tpu.memory_space<hbm>> -> memref<512xi32, #tpu.memory_space<hbm>>
    tpu.enqueue_dma source(%dma_start3A_169 : memref<512xi32, #tpu.memory_space<hbm>>) target(%dma_start3A_168 : memref<512xi32, #tpu.memory_space<vmem>>) target_semaphore(%arg10 : memref<!tpu.dma_semaphore, #tpu.memory_space<semaphore_mem>>)
    %add3A_170 = arith.constant 344064 : i32
    %add3A_171 = arith.addi %add3A_170, %mul3A_2 : i32
    %dma_start3A_172 = arith.constant 10752 : i32
    %dma_start3A_173 = tpu.memref_slice %arg6[%dma_start3A_172] : memref<13312xi32, #tpu.memory_space<vmem>> -> memref<512xi32, #tpu.memory_space<vmem>>
    %dma_start3A_174 = tpu.memref_slice %arg2[%add3A_171] : memref<425984xi32, #tpu.memory_space<hbm>> -> memref<512xi32, #tpu.memory_space<hbm>>
    %dma_start3A_175 = arith.constant 10752 : i32
    %dma_start3A_176 = tpu.memref_slice %arg6[%dma_start3A_175] : memref<13312xi32, #tpu.memory_space<vmem>> -> memref<512xi32, #tpu.memory_space<vmem>>
    %dma_start3A_177 = tpu.memref_slice %arg2[%add3A_171] : memref<425984xi32, #tpu.memory_space<hbm>> -> memref<512xi32, #tpu.memory_space<hbm>>
    tpu.enqueue_dma source(%dma_start3A_177 : memref<512xi32, #tpu.memory_space<hbm>>) target(%dma_start3A_176 : memref<512xi32, #tpu.memory_space<vmem>>) target_semaphore(%arg10 : memref<!tpu.dma_semaphore, #tpu.memory_space<semaphore_mem>>)
    %add3A_178 = arith.constant 360448 : i32
    %add3A_179 = arith.addi %add3A_178, %mul3A_2 : i32
    %dma_start3A_180 = arith.constant 11264 : i32
    %dma_start3A_181 = tpu.memref_slice %arg6[%dma_start3A_180] : memref<13312xi32, #tpu.memory_space<vmem>> -> memref<512xi32, #tpu.memory_space<vmem>>
    %dma_start3A_182 = tpu.memref_slice %arg2[%add3A_179] : memref<425984xi32, #tpu.memory_space<hbm>> -> memref<512xi32, #tpu.memory_space<hbm>>
    %dma_start3A_183 = arith.constant 11264 : i32
    %dma_start3A_184 = tpu.memref_slice %arg6[%dma_start3A_183] : memref<13312xi32, #tpu.memory_space<vmem>> -> memref<512xi32, #tpu.memory_space<vmem>>
    %dma_start3A_185 = tpu.memref_slice %arg2[%add3A_179] : memref<425984xi32, #tpu.memory_space<hbm>> -> memref<512xi32, #tpu.memory_space<hbm>>
    tpu.enqueue_dma source(%dma_start3A_185 : memref<512xi32, #tpu.memory_space<hbm>>) target(%dma_start3A_184 : memref<512xi32, #tpu.memory_space<vmem>>) target_semaphore(%arg10 : memref<!tpu.dma_semaphore, #tpu.memory_space<semaphore_mem>>)
    %add3A_186 = arith.constant 376832 : i32
    %add3A_187 = arith.addi %add3A_186, %mul3A_2 : i32
    %dma_start3A_188 = arith.constant 11776 : i32
    %dma_start3A_189 = tpu.memref_slice %arg6[%dma_start3A_188] : memref<13312xi32, #tpu.memory_space<vmem>> -> memref<512xi32, #tpu.memory_space<vmem>>
    %dma_start3A_190 = tpu.memref_slice %arg2[%add3A_187] : memref<425984xi32, #tpu.memory_space<hbm>> -> memref<512xi32, #tpu.memory_space<hbm>>
    %dma_start3A_191 = arith.constant 11776 : i32
    %dma_start3A_192 = tpu.memref_slice %arg6[%dma_start3A_191] : memref<13312xi32, #tpu.memory_space<vmem>> -> memref<512xi32, #tpu.memory_space<vmem>>
    %dma_start3A_193 = tpu.memref_slice %arg2[%add3A_187] : memref<425984xi32, #tpu.memory_space<hbm>> -> memref<512xi32, #tpu.memory_space<hbm>>
    tpu.enqueue_dma source(%dma_start3A_193 : memref<512xi32, #tpu.memory_space<hbm>>) target(%dma_start3A_192 : memref<512xi32, #tpu.memory_space<vmem>>) target_semaphore(%arg10 : memref<!tpu.dma_semaphore, #tpu.memory_space<semaphore_mem>>)
    %add3A_194 = arith.constant 393216 : i32
    %add3A_195 = arith.addi %add3A_194, %mul3A_2 : i32
    %dma_start3A_196 = arith.constant 12288 : i32
    %dma_start3A_197 = tpu.memref_slice %arg6[%dma_start3A_196] : memref<13312xi32, #tpu.memory_space<vmem>> -> memref<512xi32, #tpu.memory_space<vmem>>
    %dma_start3A_198 = tpu.memref_slice %arg2[%add3A_195] : memref<425984xi32, #tpu.memory_space<hbm>> -> memref<512xi32, #tpu.memory_space<hbm>>
    %dma_start3A_199 = arith.constant 12288 : i32
    %dma_start3A_200 = tpu.memref_slice %arg6[%dma_start3A_199] : memref<13312xi32, #tpu.memory_space<vmem>> -> memref<512xi32, #tpu.memory_space<vmem>>
    %dma_start3A_201 = tpu.memref_slice %arg2[%add3A_195] : memref<425984xi32, #tpu.memory_space<hbm>> -> memref<512xi32, #tpu.memory_space<hbm>>
    tpu.enqueue_dma source(%dma_start3A_201 : memref<512xi32, #tpu.memory_space<hbm>>) target(%dma_start3A_200 : memref<512xi32, #tpu.memory_space<vmem>>) target_semaphore(%arg10 : memref<!tpu.dma_semaphore, #tpu.memory_space<semaphore_mem>>)
    %add3A_202 = arith.constant 409600 : i32
    %add3A_203 = arith.addi %add3A_202, %mul3A_2 : i32
    %dma_start3A_204 = arith.constant 12800 : i32
    %dma_start3A_205 = tpu.memref_slice %arg6[%dma_start3A_204] : memref<13312xi32, #tpu.memory_space<vmem>> -> memref<512xi32, #tpu.memory_space<vmem>>
    %dma_start3A_206 = tpu.memref_slice %arg2[%add3A_203] : memref<425984xi32, #tpu.memory_space<hbm>> -> memref<512xi32, #tpu.memory_space<hbm>>
    %dma_start3A_207 = arith.constant 12800 : i32
    %dma_start3A_208 = tpu.memref_slice %arg6[%dma_start3A_207] : memref<13312xi32, #tpu.memory_space<vmem>> -> memref<512xi32, #tpu.memory_space<vmem>>
    %dma_start3A_209 = tpu.memref_slice %arg2[%add3A_203] : memref<425984xi32, #tpu.memory_space<hbm>> -> memref<512xi32, #tpu.memory_space<hbm>>
    tpu.enqueue_dma source(%dma_start3A_209 : memref<512xi32, #tpu.memory_space<hbm>>) target(%dma_start3A_208 : memref<512xi32, #tpu.memory_space<vmem>>) target_semaphore(%arg10 : memref<!tpu.dma_semaphore, #tpu.memory_space<semaphore_mem>>)
    "tpu.region"() ({
      %run_scoped3A = tpu.sem_alloc : memref<!tpu.dma_semaphore, #tpu.memory_space<semaphore_mem>>
      tpu.enqueue_dma source(%arg4 : memref<16xf32, #tpu.memory_space<hbm>>) target(%arg8 : memref<16xf32, #tpu.memory_space<vmem>>) target_semaphore(%run_scoped3A : memref<!tpu.dma_semaphore, #tpu.memory_space<semaphore_mem>>)
      tpu.wait_dma2 semaphore(%run_scoped3A : memref<!tpu.dma_semaphore, #tpu.memory_space<semaphore_mem>>) src(%arg4 : memref<16xf32, #tpu.memory_space<hbm>>) dst(%arg8 : memref<16xf32, #tpu.memory_space<vmem>>)
      tpu.yield
    }) : () -> ()
    %get3A = arith.constant 0 : index
    %get3A_210 = tpu.vector_load %arg8[%get3A] {strides = array<i32>} : memref<16xf32, #tpu.memory_space<vmem>>, vector<16xf32>,
    %get3A_211 = vector.shape_cast %get3A_210 : vector<16xf32> to vector<16xf32>
    %dma_wait3A = arith.constant 0 : i32
    %dma_wait3A_212 = tpu.memref_slice %arg6[%dma_wait3A] : memref<13312xi32, #tpu.memory_space<vmem>> -> memref<512xi32, #tpu.memory_space<vmem>>
    %dma_wait3A_213 = tpu.memref_slice %arg2[%add3A_4] : memref<425984xi32, #tpu.memory_space<hbm>> -> memref<512xi32, #tpu.memory_space<hbm>>
    %dma_wait3A_214 = arith.constant 0 : i32
    %dma_wait3A_215 = tpu.memref_slice %arg6[%dma_wait3A_214] : memref<13312xi32, #tpu.memory_space<vmem>> -> memref<512xi32, #tpu.memory_space<vmem>>
    %dma_wait3A_216 = tpu.memref_slice %arg2[%add3A_4] : memref<425984xi32, #tpu.memory_space<hbm>> -> memref<512xi32, #tpu.memory_space<hbm>>
    tpu.wait_dma2 semaphore(%arg10 : memref<!tpu.dma_semaphore, #tpu.memory_space<semaphore_mem>>) src(%dma_wait3A_216 : memref<512xi32, #tpu.memory_space<hbm>>) dst(%dma_wait3A_215 : memref<512xi32, #tpu.memory_space<vmem>>)
    %dma_wait3A_217 = arith.constant 512 : i32
    %dma_wait3A_218 = tpu.memref_slice %arg6[%dma_wait3A_217] : memref<13312xi32, #tpu.memory_space<vmem>> -> memref<512xi32, #tpu.memory_space<vmem>>
    %dma_wait3A_219 = tpu.memref_slice %arg2[%add3A_11] : memref<425984xi32, #tpu.memory_space<hbm>> -> memref<512xi32, #tpu.memory_space<hbm>>
    %dma_wait3A_220 = arith.constant 512 : i32
    %dma_wait3A_221 = tpu.memref_slice %arg6[%dma_wait3A_220] : memref<13312xi32, #tpu.memory_space<vmem>> -> memref<512xi32, #tpu.memory_space<vmem>>
    %dma_wait3A_222 = tpu.memref_slice %arg2[%add3A_11] : memref<425984xi32, #tpu.memory_space<hbm>> -> memref<512xi32, #tpu.memory_space<hbm>>
    tpu.wait_dma2 semaphore(%arg10 : memref<!tpu.dma_semaphore, #tpu.memory_space<semaphore_mem>>) src(%dma_wait3A_222 : memref<512xi32, #tpu.memory_space<hbm>>) dst(%dma_wait3A_221 : memref<512xi32, #tpu.memory_space<vmem>>)
    %dma_wait3A_223 = arith.constant 1024 : i32
    %dma_wait3A_224 = tpu.memref_slice %arg6[%dma_wait3A_223] : memref<13312xi32, #tpu.memory_space<vmem>> -> memref<512xi32, #tpu.memory_space<vmem>>
    %dma_wait3A_225 = tpu.memref_slice %arg2[%add3A_19] : memref<425984xi32, #tpu.memory_space<hbm>> -> memref<512xi32, #tpu.memory_space<hbm>>
    %dma_wait3A_226 = arith.constant 1024 : i32
    %dma_wait3A_227 = tpu.memref_slice %arg6[%dma_wait3A_226] : memref<13312xi32, #tpu.memory_space<vmem>> -> memref<512xi32, #tpu.memory_space<vmem>>
    %dma_wait3A_228 = tpu.memref_slice %arg2[%add3A_19] : memref<425984xi32, #tpu.memory_space<hbm>> -> memref<512xi32, #tpu.memory_space<hbm>>
    tpu.wait_dma2 semaphore(%arg10 : memref<!tpu.dma_semaphore, #tpu.memory_space<semaphore_mem>>) src(%dma_wait3A_228 : memref<512xi32, #tpu.memory_space<hbm>>) dst(%dma_wait3A_227 : memref<512xi32, #tpu.memory_space<vmem>>)
    %dma_wait3A_229 = arith.constant 1536 : i32
    %dma_wait3A_230 = tpu.memref_slice %arg6[%dma_wait3A_229] : memref<13312xi32, #tpu.memory_space<vmem>> -> memref<512xi32, #tpu.memory_space<vmem>>
    %dma_wait3A_231 = tpu.memref_slice %arg2[%add3A_27] : memref<425984xi32, #tpu.memory_space<hbm>> -> memref<512xi32, #tpu.memory_space<hbm>>
    %dma_wait3A_232 = arith.constant 1536 : i32
    %dma_wait3A_233 = tpu.memref_slice %arg6[%dma_wait3A_232] : memref<13312xi32, #tpu.memory_space<vmem>> -> memref<512xi32, #tpu.memory_space<vmem>>
    %dma_wait3A_234 = tpu.memref_slice %arg2[%add3A_27] : memref<425984xi32, #tpu.memory_space<hbm>> -> memref<512xi32, #tpu.memory_space<hbm>>
    tpu.wait_dma2 semaphore(%arg10 : memref<!tpu.dma_semaphore, #tpu.memory_space<semaphore_mem>>) src(%dma_wait3A_234 : memref<512xi32, #tpu.memory_space<hbm>>) dst(%dma_wait3A_233 : memref<512xi32, #tpu.memory_space<vmem>>)
    %dma_wait3A_235 = arith.constant 2048 : i32
    %dma_wait3A_236 = tpu.memref_slice %arg6[%dma_wait3A_235] : memref<13312xi32, #tpu.memory_space<vmem>> -> memref<512xi32, #tpu.memory_space<vmem>>
    %dma_wait3A_237 = tpu.memref_slice %arg2[%add3A_35] : memref<425984xi32, #tpu.memory_space<hbm>> -> memref<512xi32, #tpu.memory_space<hbm>>
    %dma_wait3A_238 = arith.constant 2048 : i32
    %dma_wait3A_239 = tpu.memref_slice %arg6[%dma_wait3A_238] : memref<13312xi32, #tpu.memory_space<vmem>> -> memref<512xi32, #tpu.memory_space<vmem>>
    %dma_wait3A_240 = tpu.memref_slice %arg2[%add3A_35] : memref<425984xi32, #tpu.memory_space<hbm>> -> memref<512xi32, #tpu.memory_space<hbm>>
    tpu.wait_dma2 semaphore(%arg10 : memref<!tpu.dma_semaphore, #tpu.memory_space<semaphore_mem>>) src(%dma_wait3A_240 : memref<512xi32, #tpu.memory_space<hbm>>) dst(%dma_wait3A_239 : memref<512xi32, #tpu.memory_space<vmem>>)
    %dma_wait3A_241 = arith.constant 2560 : i32
    %dma_wait3A_242 = tpu.memref_slice %arg6[%dma_wait3A_241] : memref<13312xi32, #tpu.memory_space<vmem>> -> memref<512xi32, #tpu.memory_space<vmem>>
    %dma_wait3A_243 = tpu.memref_slice %arg2[%add3A_43] : memref<425984xi32, #tpu.memory_space<hbm>> -> memref<512xi32, #tpu.memory_space<hbm>>
    %dma_wait3A_244 = arith.constant 2560 : i32
    %dma_wait3A_245 = tpu.memref_slice %arg6[%dma_wait3A_244] : memref<13312xi32, #tpu.memory_space<vmem>> -> memref<512xi32, #tpu.memory_space<vmem>>
    %dma_wait3A_246 = tpu.memref_slice %arg2[%add3A_43] : memref<425984xi32, #tpu.memory_space<hbm>> -> memref<512xi32, #tpu.memory_space<hbm>>
    tpu.wait_dma2 semaphore(%arg10 : memref<!tpu.dma_semaphore, #tpu.memory_space<semaphore_mem>>) src(%dma_wait3A_246 : memref<512xi32, #tpu.memory_space<hbm>>) dst(%dma_wait3A_245 : memref<512xi32, #tpu.memory_space<vmem>>)
    %dma_wait3A_247 = arith.constant 3072 : i32
    %dma_wait3A_248 = tpu.memref_slice %arg6[%dma_wait3A_247] : memref<13312xi32, #tpu.memory_space<vmem>> -> memref<512xi32, #tpu.memory_space<vmem>>
    %dma_wait3A_249 = tpu.memref_slice %arg2[%add3A_51] : memref<425984xi32, #tpu.memory_space<hbm>> -> memref<512xi32, #tpu.memory_space<hbm>>
    %dma_wait3A_250 = arith.constant 3072 : i32
    %dma_wait3A_251 = tpu.memref_slice %arg6[%dma_wait3A_250] : memref<13312xi32, #tpu.memory_space<vmem>> -> memref<512xi32, #tpu.memory_space<vmem>>
    %dma_wait3A_252 = tpu.memref_slice %arg2[%add3A_51] : memref<425984xi32, #tpu.memory_space<hbm>> -> memref<512xi32, #tpu.memory_space<hbm>>
    tpu.wait_dma2 semaphore(%arg10 : memref<!tpu.dma_semaphore, #tpu.memory_space<semaphore_mem>>) src(%dma_wait3A_252 : memref<512xi32, #tpu.memory_space<hbm>>) dst(%dma_wait3A_251 : memref<512xi32, #tpu.memory_space<vmem>>)
    %dma_wait3A_253 = arith.constant 3584 : i32
    %dma_wait3A_254 = tpu.memref_slice %arg6[%dma_wait3A_253] : memref<13312xi32, #tpu.memory_space<vmem>> -> memref<512xi32, #tpu.memory_space<vmem>>
    %dma_wait3A_255 = tpu.memref_slice %arg2[%add3A_59] : memref<425984xi32, #tpu.memory_space<hbm>> -> memref<512xi32, #tpu.memory_space<hbm>>
    %dma_wait3A_256 = arith.constant 3584 : i32
    %dma_wait3A_257 = tpu.memref_slice %arg6[%dma_wait3A_256] : memref<13312xi32, #tpu.memory_space<vmem>> -> memref<512xi32, #tpu.memory_space<vmem>>
    %dma_wait3A_258 = tpu.memref_slice %arg2[%add3A_59] : memref<425984xi32, #tpu.memory_space<hbm>> -> memref<512xi32, #tpu.memory_space<hbm>>
    tpu.wait_dma2 semaphore(%arg10 : memref<!tpu.dma_semaphore, #tpu.memory_space<semaphore_mem>>) src(%dma_wait3A_258 : memref<512xi32, #tpu.memory_space<hbm>>) dst(%dma_wait3A_257 : memref<512xi32, #tpu.memory_space<vmem>>)
    %dma_wait3A_259 = arith.constant 4096 : i32
    %dma_wait3A_260 = tpu.memref_slice %arg6[%dma_wait3A_259] : memref<13312xi32, #tpu.memory_space<vmem>> -> memref<512xi32, #tpu.memory_space<vmem>>
    %dma_wait3A_261 = tpu.memref_slice %arg2[%add3A_67] : memref<425984xi32, #tpu.memory_space<hbm>> -> memref<512xi32, #tpu.memory_space<hbm>>
    %dma_wait3A_262 = arith.constant 4096 : i32
    %dma_wait3A_263 = tpu.memref_slice %arg6[%dma_wait3A_262] : memref<13312xi32, #tpu.memory_space<vmem>> -> memref<512xi32, #tpu.memory_space<vmem>>
    %dma_wait3A_264 = tpu.memref_slice %arg2[%add3A_67] : memref<425984xi32, #tpu.memory_space<hbm>> -> memref<512xi32, #tpu.memory_space<hbm>>
    tpu.wait_dma2 semaphore(%arg10 : memref<!tpu.dma_semaphore, #tpu.memory_space<semaphore_mem>>) src(%dma_wait3A_264 : memref<512xi32, #tpu.memory_space<hbm>>) dst(%dma_wait3A_263 : memref<512xi32, #tpu.memory_space<vmem>>)
    %dma_wait3A_265 = arith.constant 4608 : i32
    %dma_wait3A_266 = tpu.memref_slice %arg6[%dma_wait3A_265] : memref<13312xi32, #tpu.memory_space<vmem>> -> memref<512xi32, #tpu.memory_space<vmem>>
    %dma_wait3A_267 = tpu.memref_slice %arg2[%add3A_75] : memref<425984xi32, #tpu.memory_space<hbm>> -> memref<512xi32, #tpu.memory_space<hbm>>
    %dma_wait3A_268 = arith.constant 4608 : i32
    %dma_wait3A_269 = tpu.memref_slice %arg6[%dma_wait3A_268] : memref<13312xi32, #tpu.memory_space<vmem>> -> memref<512xi32, #tpu.memory_space<vmem>>
    %dma_wait3A_270 = tpu.memref_slice %arg2[%add3A_75] : memref<425984xi32, #tpu.memory_space<hbm>> -> memref<512xi32, #tpu.memory_space<hbm>>
    tpu.wait_dma2 semaphore(%arg10 : memref<!tpu.dma_semaphore, #tpu.memory_space<semaphore_mem>>) src(%dma_wait3A_270 : memref<512xi32, #tpu.memory_space<hbm>>) dst(%dma_wait3A_269 : memref<512xi32, #tpu.memory_space<vmem>>)
    %dma_wait3A_271 = arith.constant 5120 : i32
    %dma_wait3A_272 = tpu.memref_slice %arg6[%dma_wait3A_271] : memref<13312xi32, #tpu.memory_space<vmem>> -> memref<512xi32, #tpu.memory_space<vmem>>
    %dma_wait3A_273 = tpu.memref_slice %arg2[%add3A_83] : memref<425984xi32, #tpu.memory_space<hbm>> -> memref<512xi32, #tpu.memory_space<hbm>>
    %dma_wait3A_274 = arith.constant 5120 : i32
    %dma_wait3A_275 = tpu.memref_slice %arg6[%dma_wait3A_274] : memref<13312xi32, #tpu.memory_space<vmem>> -> memref<512xi32, #tpu.memory_space<vmem>>
    %dma_wait3A_276 = tpu.memref_slice %arg2[%add3A_83] : memref<425984xi32, #tpu.memory_space<hbm>> -> memref<512xi32, #tpu.memory_space<hbm>>
    tpu.wait_dma2 semaphore(%arg10 : memref<!tpu.dma_semaphore, #tpu.memory_space<semaphore_mem>>) src(%dma_wait3A_276 : memref<512xi32, #tpu.memory_space<hbm>>) dst(%dma_wait3A_275 : memref<512xi32, #tpu.memory_space<vmem>>)
    %dma_wait3A_277 = arith.constant 5632 : i32
    %dma_wait3A_278 = tpu.memref_slice %arg6[%dma_wait3A_277] : memref<13312xi32, #tpu.memory_space<vmem>> -> memref<512xi32, #tpu.memory_space<vmem>>
    %dma_wait3A_279 = tpu.memref_slice %arg2[%add3A_91] : memref<425984xi32, #tpu.memory_space<hbm>> -> memref<512xi32, #tpu.memory_space<hbm>>
    %dma_wait3A_280 = arith.constant 5632 : i32
    %dma_wait3A_281 = tpu.memref_slice %arg6[%dma_wait3A_280] : memref<13312xi32, #tpu.memory_space<vmem>> -> memref<512xi32, #tpu.memory_space<vmem>>
    %dma_wait3A_282 = tpu.memref_slice %arg2[%add3A_91] : memref<425984xi32, #tpu.memory_space<hbm>> -> memref<512xi32, #tpu.memory_space<hbm>>
    tpu.wait_dma2 semaphore(%arg10 : memref<!tpu.dma_semaphore, #tpu.memory_space<semaphore_mem>>) src(%dma_wait3A_282 : memref<512xi32, #tpu.memory_space<hbm>>) dst(%dma_wait3A_281 : memref<512xi32, #tpu.memory_space<vmem>>)
    %dma_wait3A_283 = arith.constant 6144 : i32
    %dma_wait3A_284 = tpu.memref_slice %arg6[%dma_wait3A_283] : memref<13312xi32, #tpu.memory_space<vmem>> -> memref<512xi32, #tpu.memory_space<vmem>>
    %dma_wait3A_285 = tpu.memref_slice %arg2[%add3A_99] : memref<425984xi32, #tpu.memory_space<hbm>> -> memref<512xi32, #tpu.memory_space<hbm>>
    %dma_wait3A_286 = arith.constant 6144 : i32
    %dma_wait3A_287 = tpu.memref_slice %arg6[%dma_wait3A_286] : memref<13312xi32, #tpu.memory_space<vmem>> -> memref<512xi32, #tpu.memory_space<vmem>>
    %dma_wait3A_288 = tpu.memref_slice %arg2[%add3A_99] : memref<425984xi32, #tpu.memory_space<hbm>> -> memref<512xi32, #tpu.memory_space<hbm>>
    tpu.wait_dma2 semaphore(%arg10 : memref<!tpu.dma_semaphore, #tpu.memory_space<semaphore_mem>>) src(%dma_wait3A_288 : memref<512xi32, #tpu.memory_space<hbm>>) dst(%dma_wait3A_287 : memref<512xi32, #tpu.memory_space<vmem>>)
    %dma_wait3A_289 = arith.constant 6656 : i32
    %dma_wait3A_290 = tpu.memref_slice %arg6[%dma_wait3A_289] : memref<13312xi32, #tpu.memory_space<vmem>> -> memref<512xi32, #tpu.memory_space<vmem>>
    %dma_wait3A_291 = tpu.memref_slice %arg2[%add3A_107] : memref<425984xi32, #tpu.memory_space<hbm>> -> memref<512xi32, #tpu.memory_space<hbm>>
    %dma_wait3A_292 = arith.constant 6656 : i32
    %dma_wait3A_293 = tpu.memref_slice %arg6[%dma_wait3A_292] : memref<13312xi32, #tpu.memory_space<vmem>> -> memref<512xi32, #tpu.memory_space<vmem>>
    %dma_wait3A_294 = tpu.memref_slice %arg2[%add3A_107] : memref<425984xi32, #tpu.memory_space<hbm>> -> memref<512xi32, #tpu.memory_space<hbm>>
    tpu.wait_dma2 semaphore(%arg10 : memref<!tpu.dma_semaphore, #tpu.memory_space<semaphore_mem>>) src(%dma_wait3A_294 : memref<512xi32, #tpu.memory_space<hbm>>) dst(%dma_wait3A_293 : memref<512xi32, #tpu.memory_space<vmem>>)
    %dma_wait3A_295 = arith.constant 7168 : i32
    %dma_wait3A_296 = tpu.memref_slice %arg6[%dma_wait3A_295] : memref<13312xi32, #tpu.memory_space<vmem>> -> memref<512xi32, #tpu.memory_space<vmem>>
    %dma_wait3A_297 = tpu.memref_slice %arg2[%add3A_115] : memref<425984xi32, #tpu.memory_space<hbm>> -> memref<512xi32, #tpu.memory_space<hbm>>
    %dma_wait3A_298 = arith.constant 7168 : i32
    %dma_wait3A_299 = tpu.memref_slice %arg6[%dma_wait3A_298] : memref<13312xi32, #tpu.memory_space<vmem>> -> memref<512xi32, #tpu.memory_space<vmem>>
    %dma_wait3A_300 = tpu.memref_slice %arg2[%add3A_115] : memref<425984xi32, #tpu.memory_space<hbm>> -> memref<512xi32, #tpu.memory_space<hbm>>
    tpu.wait_dma2 semaphore(%arg10 : memref<!tpu.dma_semaphore, #tpu.memory_space<semaphore_mem>>) src(%dma_wait3A_300 : memref<512xi32, #tpu.memory_space<hbm>>) dst(%dma_wait3A_299 : memref<512xi32, #tpu.memory_space<vmem>>)
    %dma_wait3A_301 = arith.constant 7680 : i32
    %dma_wait3A_302 = tpu.memref_slice %arg6[%dma_wait3A_301] : memref<13312xi32, #tpu.memory_space<vmem>> -> memref<512xi32, #tpu.memory_space<vmem>>
    %dma_wait3A_303 = tpu.memref_slice %arg2[%add3A_123] : memref<425984xi32, #tpu.memory_space<hbm>> -> memref<512xi32, #tpu.memory_space<hbm>>
    %dma_wait3A_304 = arith.constant 7680 : i32
    %dma_wait3A_305 = tpu.memref_slice %arg6[%dma_wait3A_304] : memref<13312xi32, #tpu.memory_space<vmem>> -> memref<512xi32, #tpu.memory_space<vmem>>
    %dma_wait3A_306 = tpu.memref_slice %arg2[%add3A_123] : memref<425984xi32, #tpu.memory_space<hbm>> -> memref<512xi32, #tpu.memory_space<hbm>>
    tpu.wait_dma2 semaphore(%arg10 : memref<!tpu.dma_semaphore, #tpu.memory_space<semaphore_mem>>) src(%dma_wait3A_306 : memref<512xi32, #tpu.memory_space<hbm>>) dst(%dma_wait3A_305 : memref<512xi32, #tpu.memory_space<vmem>>)
    %dma_wait3A_307 = arith.constant 8192 : i32
    %dma_wait3A_308 = tpu.memref_slice %arg6[%dma_wait3A_307] : memref<13312xi32, #tpu.memory_space<vmem>> -> memref<512xi32, #tpu.memory_space<vmem>>
    %dma_wait3A_309 = tpu.memref_slice %arg2[%add3A_131] : memref<425984xi32, #tpu.memory_space<hbm>> -> memref<512xi32, #tpu.memory_space<hbm>>
    %dma_wait3A_310 = arith.constant 8192 : i32
    %dma_wait3A_311 = tpu.memref_slice %arg6[%dma_wait3A_310] : memref<13312xi32, #tpu.memory_space<vmem>> -> memref<512xi32, #tpu.memory_space<vmem>>
    %dma_wait3A_312 = tpu.memref_slice %arg2[%add3A_131] : memref<425984xi32, #tpu.memory_space<hbm>> -> memref<512xi32, #tpu.memory_space<hbm>>
    tpu.wait_dma2 semaphore(%arg10 : memref<!tpu.dma_semaphore, #tpu.memory_space<semaphore_mem>>) src(%dma_wait3A_312 : memref<512xi32, #tpu.memory_space<hbm>>) dst(%dma_wait3A_311 : memref<512xi32, #tpu.memory_space<vmem>>)
    %dma_wait3A_313 = arith.constant 8704 : i32
    %dma_wait3A_314 = tpu.memref_slice %arg6[%dma_wait3A_313] : memref<13312xi32, #tpu.memory_space<vmem>> -> memref<512xi32, #tpu.memory_space<vmem>>
    %dma_wait3A_315 = tpu.memref_slice %arg2[%add3A_139] : memref<425984xi32, #tpu.memory_space<hbm>> -> memref<512xi32, #tpu.memory_space<hbm>>
    %dma_wait3A_316 = arith.constant 8704 : i32
    %dma_wait3A_317 = tpu.memref_slice %arg6[%dma_wait3A_316] : memref<13312xi32, #tpu.memory_space<vmem>> -> memref<512xi32, #tpu.memory_space<vmem>>
    %dma_wait3A_318 = tpu.memref_slice %arg2[%add3A_139] : memref<425984xi32, #tpu.memory_space<hbm>> -> memref<512xi32, #tpu.memory_space<hbm>>
    tpu.wait_dma2 semaphore(%arg10 : memref<!tpu.dma_semaphore, #tpu.memory_space<semaphore_mem>>) src(%dma_wait3A_318 : memref<512xi32, #tpu.memory_space<hbm>>) dst(%dma_wait3A_317 : memref<512xi32, #tpu.memory_space<vmem>>)
    %dma_wait3A_319 = arith.constant 9216 : i32
    %dma_wait3A_320 = tpu.memref_slice %arg6[%dma_wait3A_319] : memref<13312xi32, #tpu.memory_space<vmem>> -> memref<512xi32, #tpu.memory_space<vmem>>
    %dma_wait3A_321 = tpu.memref_slice %arg2[%add3A_147] : memref<425984xi32, #tpu.memory_space<hbm>> -> memref<512xi32, #tpu.memory_space<hbm>>
    %dma_wait3A_322 = arith.constant 9216 : i32
    %dma_wait3A_323 = tpu.memref_slice %arg6[%dma_wait3A_322] : memref<13312xi32, #tpu.memory_space<vmem>> -> memref<512xi32, #tpu.memory_space<vmem>>
    %dma_wait3A_324 = tpu.memref_slice %arg2[%add3A_147] : memref<425984xi32, #tpu.memory_space<hbm>> -> memref<512xi32, #tpu.memory_space<hbm>>
    tpu.wait_dma2 semaphore(%arg10 : memref<!tpu.dma_semaphore, #tpu.memory_space<semaphore_mem>>) src(%dma_wait3A_324 : memref<512xi32, #tpu.memory_space<hbm>>) dst(%dma_wait3A_323 : memref<512xi32, #tpu.memory_space<vmem>>)
    %dma_wait3A_325 = arith.constant 9728 : i32
    %dma_wait3A_326 = tpu.memref_slice %arg6[%dma_wait3A_325] : memref<13312xi32, #tpu.memory_space<vmem>> -> memref<512xi32, #tpu.memory_space<vmem>>
    %dma_wait3A_327 = tpu.memref_slice %arg2[%add3A_155] : memref<425984xi32, #tpu.memory_space<hbm>> -> memref<512xi32, #tpu.memory_space<hbm>>
    %dma_wait3A_328 = arith.constant 9728 : i32
    %dma_wait3A_329 = tpu.memref_slice %arg6[%dma_wait3A_328] : memref<13312xi32, #tpu.memory_space<vmem>> -> memref<512xi32, #tpu.memory_space<vmem>>
    %dma_wait3A_330 = tpu.memref_slice %arg2[%add3A_155] : memref<425984xi32, #tpu.memory_space<hbm>> -> memref<512xi32, #tpu.memory_space<hbm>>
    tpu.wait_dma2 semaphore(%arg10 : memref<!tpu.dma_semaphore, #tpu.memory_space<semaphore_mem>>) src(%dma_wait3A_330 : memref<512xi32, #tpu.memory_space<hbm>>) dst(%dma_wait3A_329 : memref<512xi32, #tpu.memory_space<vmem>>)
    %dma_wait3A_331 = arith.constant 10240 : i32
    %dma_wait3A_332 = tpu.memref_slice %arg6[%dma_wait3A_331] : memref<13312xi32, #tpu.memory_space<vmem>> -> memref<512xi32, #tpu.memory_space<vmem>>
    %dma_wait3A_333 = tpu.memref_slice %arg2[%add3A_163] : memref<425984xi32, #tpu.memory_space<hbm>> -> memref<512xi32, #tpu.memory_space<hbm>>
    %dma_wait3A_334 = arith.constant 10240 : i32
    %dma_wait3A_335 = tpu.memref_slice %arg6[%dma_wait3A_334] : memref<13312xi32, #tpu.memory_space<vmem>> -> memref<512xi32, #tpu.memory_space<vmem>>
    %dma_wait3A_336 = tpu.memref_slice %arg2[%add3A_163] : memref<425984xi32, #tpu.memory_space<hbm>> -> memref<512xi32, #tpu.memory_space<hbm>>
    tpu.wait_dma2 semaphore(%arg10 : memref<!tpu.dma_semaphore, #tpu.memory_space<semaphore_mem>>) src(%dma_wait3A_336 : memref<512xi32, #tpu.memory_space<hbm>>) dst(%dma_wait3A_335 : memref<512xi32, #tpu.memory_space<vmem>>)
    %dma_wait3A_337 = arith.constant 10752 : i32
    %dma_wait3A_338 = tpu.memref_slice %arg6[%dma_wait3A_337] : memref<13312xi32, #tpu.memory_space<vmem>> -> memref<512xi32, #tpu.memory_space<vmem>>
    %dma_wait3A_339 = tpu.memref_slice %arg2[%add3A_171] : memref<425984xi32, #tpu.memory_space<hbm>> -> memref<512xi32, #tpu.memory_space<hbm>>
    %dma_wait3A_340 = arith.constant 10752 : i32
    %dma_wait3A_341 = tpu.memref_slice %arg6[%dma_wait3A_340] : memref<13312xi32, #tpu.memory_space<vmem>> -> memref<512xi32, #tpu.memory_space<vmem>>
    %dma_wait3A_342 = tpu.memref_slice %arg2[%add3A_171] : memref<425984xi32, #tpu.memory_space<hbm>> -> memref<512xi32, #tpu.memory_space<hbm>>
    tpu.wait_dma2 semaphore(%arg10 : memref<!tpu.dma_semaphore, #tpu.memory_space<semaphore_mem>>) src(%dma_wait3A_342 : memref<512xi32, #tpu.memory_space<hbm>>) dst(%dma_wait3A_341 : memref<512xi32, #tpu.memory_space<vmem>>)
    %dma_wait3A_343 = arith.constant 11264 : i32
    %dma_wait3A_344 = tpu.memref_slice %arg6[%dma_wait3A_343] : memref<13312xi32, #tpu.memory_space<vmem>> -> memref<512xi32, #tpu.memory_space<vmem>>
    %dma_wait3A_345 = tpu.memref_slice %arg2[%add3A_179] : memref<425984xi32, #tpu.memory_space<hbm>> -> memref<512xi32, #tpu.memory_space<hbm>>
    %dma_wait3A_346 = arith.constant 11264 : i32
    %dma_wait3A_347 = tpu.memref_slice %arg6[%dma_wait3A_346] : memref<13312xi32, #tpu.memory_space<vmem>> -> memref<512xi32, #tpu.memory_space<vmem>>
    %dma_wait3A_348 = tpu.memref_slice %arg2[%add3A_179] : memref<425984xi32, #tpu.memory_space<hbm>> -> memref<512xi32, #tpu.memory_space<hbm>>
    tpu.wait_dma2 semaphore(%arg10 : memref<!tpu.dma_semaphore, #tpu.memory_space<semaphore_mem>>) src(%dma_wait3A_348 : memref<512xi32, #tpu.memory_space<hbm>>) dst(%dma_wait3A_347 : memref<512xi32, #tpu.memory_space<vmem>>)
    %dma_wait3A_349 = arith.constant 11776 : i32
    %dma_wait3A_350 = tpu.memref_slice %arg6[%dma_wait3A_349] : memref<13312xi32, #tpu.memory_space<vmem>> -> memref<512xi32, #tpu.memory_space<vmem>>
    %dma_wait3A_351 = tpu.memref_slice %arg2[%add3A_187] : memref<425984xi32, #tpu.memory_space<hbm>> -> memref<512xi32, #tpu.memory_space<hbm>>
    %dma_wait3A_352 = arith.constant 11776 : i32
    %dma_wait3A_353 = tpu.memref_slice %arg6[%dma_wait3A_352] : memref<13312xi32, #tpu.memory_space<vmem>> -> memref<512xi32, #tpu.memory_space<vmem>>
    %dma_wait3A_354 = tpu.memref_slice %arg2[%add3A_187] : memref<425984xi32, #tpu.memory_space<hbm>> -> memref<512xi32, #tpu.memory_space<hbm>>
    tpu.wait_dma2 semaphore(%arg10 : memref<!tpu.dma_semaphore, #tpu.memory_space<semaphore_mem>>) src(%dma_wait3A_354 : memref<512xi32, #tpu.memory_space<hbm>>) dst(%dma_wait3A_353 : memref<512xi32, #tpu.memory_space<vmem>>)
    %dma_wait3A_355 = arith.constant 12288 : i32
    %dma_wait3A_356 = tpu.memref_slice %arg6[%dma_wait3A_355] : memref<13312xi32, #tpu.memory_space<vmem>> -> memref<512xi32, #tpu.memory_space<vmem>>
    %dma_wait3A_357 = tpu.memref_slice %arg2[%add3A_195] : memref<425984xi32, #tpu.memory_space<hbm>> -> memref<512xi32, #tpu.memory_space<hbm>>
    %dma_wait3A_358 = arith.constant 12288 : i32
    %dma_wait3A_359 = tpu.memref_slice %arg6[%dma_wait3A_358] : memref<13312xi32, #tpu.memory_space<vmem>> -> memref<512xi32, #tpu.memory_space<vmem>>
    %dma_wait3A_360 = tpu.memref_slice %arg2[%add3A_195] : memref<425984xi32, #tpu.memory_space<hbm>> -> memref<512xi32, #tpu.memory_space<hbm>>
    tpu.wait_dma2 semaphore(%arg10 : memref<!tpu.dma_semaphore, #tpu.memory_space<semaphore_mem>>) src(%dma_wait3A_360 : memref<512xi32, #tpu.memory_space<hbm>>) dst(%dma_wait3A_359 : memref<512xi32, #tpu.memory_space<vmem>>)
    %dma_wait3A_361 = arith.constant 12800 : i32
    %dma_wait3A_362 = tpu.memref_slice %arg6[%dma_wait3A_361] : memref<13312xi32, #tpu.memory_space<vmem>> -> memref<512xi32, #tpu.memory_space<vmem>>
    %dma_wait3A_363 = tpu.memref_slice %arg2[%add3A_203] : memref<425984xi32, #tpu.memory_space<hbm>> -> memref<512xi32, #tpu.memory_space<hbm>>
    %dma_wait3A_364 = arith.constant 12800 : i32
    %dma_wait3A_365 = tpu.memref_slice %arg6[%dma_wait3A_364] : memref<13312xi32, #tpu.memory_space<vmem>> -> memref<512xi32, #tpu.memory_space<vmem>>
    %dma_wait3A_366 = tpu.memref_slice %arg2[%add3A_203] : memref<425984xi32, #tpu.memory_space<hbm>> -> memref<512xi32, #tpu.memory_space<hbm>>
    tpu.wait_dma2 semaphore(%arg10 : memref<!tpu.dma_semaphore, #tpu.memory_space<semaphore_mem>>) src(%dma_wait3A_366 : memref<512xi32, #tpu.memory_space<hbm>>) dst(%dma_wait3A_365 : memref<512xi32, #tpu.memory_space<vmem>>)
    %dma_start3A_367 = arith.constant 0 : i32
    %dma_start3A_368 = tpu.memref_slice %arg7[%dma_start3A_367] : memref<13312xf32, #tpu.memory_space<vmem>> -> memref<512xf32, #tpu.memory_space<vmem>>
    %dma_start3A_369 = arith.constant 0 : i32
    %dma_start3A_370 = tpu.memref_slice %arg6[%dma_start3A_369] : memref<13312xi32, #tpu.memory_space<vmem>> -> memref<512xi32, #tpu.memory_space<vmem>>
    %dma_start3A_371 = arith.constant 0 : i32
    %dma_start3A_372 = tpu.memref_slice %arg3[%dma_start3A_371] : memref<2600000xf32, #tpu.memory_space<hbm>> -> memref<100000xf32, #tpu.memory_space<hbm>>
    %dma_start3A_373 = arith.constant 0 : i32
    %dma_start3A_374 = tpu.memref_slice %dma_start3A_372[%dma_start3A_373] : memref<100000xf32, #tpu.memory_space<hbm>> -> memref<100000xf32, #tpu.memory_space<hbm>>
    tpu.enqueue_indirect_dma source(%dma_start3A_374 : memref<100000xf32, #tpu.memory_space<hbm>>) target(%dma_start3A_368 : memref<512xf32, #tpu.memory_space<vmem>>) offsets(%dma_start3A_370 : memref<512xi32, #tpu.memory_space<vmem>>) semaphore(%arg11 : memref<!tpu.dma_semaphore, #tpu.memory_space<semaphore_mem>>)
    %dma_start3A_375 = arith.constant 512 : i32
    %dma_start3A_376 = tpu.memref_slice %arg7[%dma_start3A_375] : memref<13312xf32, #tpu.memory_space<vmem>> -> memref<512xf32, #tpu.memory_space<vmem>>
    %dma_start3A_377 = arith.constant 512 : i32
    %dma_start3A_378 = tpu.memref_slice %arg6[%dma_start3A_377] : memref<13312xi32, #tpu.memory_space<vmem>> -> memref<512xi32, #tpu.memory_space<vmem>>
    %dma_start3A_379 = arith.constant 100000 : i32
    %dma_start3A_380 = tpu.memref_slice %arg3[%dma_start3A_379] : memref<2600000xf32, #tpu.memory_space<hbm>> -> memref<100000xf32, #tpu.memory_space<hbm>>
    %dma_start3A_381 = arith.constant 0 : i32
    %dma_start3A_382 = tpu.memref_slice %dma_start3A_380[%dma_start3A_381] : memref<100000xf32, #tpu.memory_space<hbm>> -> memref<100000xf32, #tpu.memory_space<hbm>>
    tpu.enqueue_indirect_dma source(%dma_start3A_382 : memref<100000xf32, #tpu.memory_space<hbm>>) target(%dma_start3A_376 : memref<512xf32, #tpu.memory_space<vmem>>) offsets(%dma_start3A_378 : memref<512xi32, #tpu.memory_space<vmem>>) semaphore(%arg11 : memref<!tpu.dma_semaphore, #tpu.memory_space<semaphore_mem>>)
    %dma_start3A_383 = arith.constant 1024 : i32
    %dma_start3A_384 = tpu.memref_slice %arg7[%dma_start3A_383] : memref<13312xf32, #tpu.memory_space<vmem>> -> memref<512xf32, #tpu.memory_space<vmem>>
    %dma_start3A_385 = arith.constant 1024 : i32
    %dma_start3A_386 = tpu.memref_slice %arg6[%dma_start3A_385] : memref<13312xi32, #tpu.memory_space<vmem>> -> memref<512xi32, #tpu.memory_space<vmem>>
    %dma_start3A_387 = arith.constant 200000 : i32
    %dma_start3A_388 = tpu.memref_slice %arg3[%dma_start3A_387] : memref<2600000xf32, #tpu.memory_space<hbm>> -> memref<100000xf32, #tpu.memory_space<hbm>>
    %dma_start3A_389 = arith.constant 0 : i32
    %dma_start3A_390 = tpu.memref_slice %dma_start3A_388[%dma_start3A_389] : memref<100000xf32, #tpu.memory_space<hbm>> -> memref<100000xf32, #tpu.memory_space<hbm>>
    tpu.enqueue_indirect_dma source(%dma_start3A_390 : memref<100000xf32, #tpu.memory_space<hbm>>) target(%dma_start3A_384 : memref<512xf32, #tpu.memory_space<vmem>>) offsets(%dma_start3A_386 : memref<512xi32, #tpu.memory_space<vmem>>) semaphore(%arg11 : memref<!tpu.dma_semaphore, #tpu.memory_space<semaphore_mem>>)
    %dma_start3A_391 = arith.constant 1536 : i32
    %dma_start3A_392 = tpu.memref_slice %arg7[%dma_start3A_391] : memref<13312xf32, #tpu.memory_space<vmem>> -> memref<512xf32, #tpu.memory_space<vmem>>
    %dma_start3A_393 = arith.constant 1536 : i32
    %dma_start3A_394 = tpu.memref_slice %arg6[%dma_start3A_393] : memref<13312xi32, #tpu.memory_space<vmem>> -> memref<512xi32, #tpu.memory_space<vmem>>
    %dma_start3A_395 = arith.constant 300000 : i32
    %dma_start3A_396 = tpu.memref_slice %arg3[%dma_start3A_395] : memref<2600000xf32, #tpu.memory_space<hbm>> -> memref<100000xf32, #tpu.memory_space<hbm>>
    %dma_start3A_397 = arith.constant 0 : i32
    %dma_start3A_398 = tpu.memref_slice %dma_start3A_396[%dma_start3A_397] : memref<100000xf32, #tpu.memory_space<hbm>> -> memref<100000xf32, #tpu.memory_space<hbm>>
    tpu.enqueue_indirect_dma source(%dma_start3A_398 : memref<100000xf32, #tpu.memory_space<hbm>>) target(%dma_start3A_392 : memref<512xf32, #tpu.memory_space<vmem>>) offsets(%dma_start3A_394 : memref<512xi32, #tpu.memory_space<vmem>>) semaphore(%arg11 : memref<!tpu.dma_semaphore, #tpu.memory_space<semaphore_mem>>)
    %dma_start3A_399 = arith.constant 2048 : i32
    %dma_start3A_400 = tpu.memref_slice %arg7[%dma_start3A_399] : memref<13312xf32, #tpu.memory_space<vmem>> -> memref<512xf32, #tpu.memory_space<vmem>>
    %dma_start3A_401 = arith.constant 2048 : i32
    %dma_start3A_402 = tpu.memref_slice %arg6[%dma_start3A_401] : memref<13312xi32, #tpu.memory_space<vmem>> -> memref<512xi32, #tpu.memory_space<vmem>>
    %dma_start3A_403 = arith.constant 400000 : i32
    %dma_start3A_404 = tpu.memref_slice %arg3[%dma_start3A_403] : memref<2600000xf32, #tpu.memory_space<hbm>> -> memref<100000xf32, #tpu.memory_space<hbm>>
    %dma_start3A_405 = arith.constant 0 : i32
    %dma_start3A_406 = tpu.memref_slice %dma_start3A_404[%dma_start3A_405] : memref<100000xf32, #tpu.memory_space<hbm>> -> memref<100000xf32, #tpu.memory_space<hbm>>
    tpu.enqueue_indirect_dma source(%dma_start3A_406 : memref<100000xf32, #tpu.memory_space<hbm>>) target(%dma_start3A_400 : memref<512xf32, #tpu.memory_space<vmem>>) offsets(%dma_start3A_402 : memref<512xi32, #tpu.memory_space<vmem>>) semaphore(%arg11 : memref<!tpu.dma_semaphore, #tpu.memory_space<semaphore_mem>>)
    %dma_start3A_407 = arith.constant 2560 : i32
    %dma_start3A_408 = tpu.memref_slice %arg7[%dma_start3A_407] : memref<13312xf32, #tpu.memory_space<vmem>> -> memref<512xf32, #tpu.memory_space<vmem>>
    %dma_start3A_409 = arith.constant 2560 : i32
    %dma_start3A_410 = tpu.memref_slice %arg6[%dma_start3A_409] : memref<13312xi32, #tpu.memory_space<vmem>> -> memref<512xi32, #tpu.memory_space<vmem>>
    %dma_start3A_411 = arith.constant 500000 : i32
    %dma_start3A_412 = tpu.memref_slice %arg3[%dma_start3A_411] : memref<2600000xf32, #tpu.memory_space<hbm>> -> memref<100000xf32, #tpu.memory_space<hbm>>
    %dma_start3A_413 = arith.constant 0 : i32
    %dma_start3A_414 = tpu.memref_slice %dma_start3A_412[%dma_start3A_413] : memref<100000xf32, #tpu.memory_space<hbm>> -> memref<100000xf32, #tpu.memory_space<hbm>>
    tpu.enqueue_indirect_dma source(%dma_start3A_414 : memref<100000xf32, #tpu.memory_space<hbm>>) target(%dma_start3A_408 : memref<512xf32, #tpu.memory_space<vmem>>) offsets(%dma_start3A_410 : memref<512xi32, #tpu.memory_space<vmem>>) semaphore(%arg11 : memref<!tpu.dma_semaphore, #tpu.memory_space<semaphore_mem>>)
    %dma_start3A_415 = arith.constant 3072 : i32
    %dma_start3A_416 = tpu.memref_slice %arg7[%dma_start3A_415] : memref<13312xf32, #tpu.memory_space<vmem>> -> memref<512xf32, #tpu.memory_space<vmem>>
    %dma_start3A_417 = arith.constant 3072 : i32
    %dma_start3A_418 = tpu.memref_slice %arg6[%dma_start3A_417] : memref<13312xi32, #tpu.memory_space<vmem>> -> memref<512xi32, #tpu.memory_space<vmem>>
    %dma_start3A_419 = arith.constant 600000 : i32
    %dma_start3A_420 = tpu.memref_slice %arg3[%dma_start3A_419] : memref<2600000xf32, #tpu.memory_space<hbm>> -> memref<100000xf32, #tpu.memory_space<hbm>>
    %dma_start3A_421 = arith.constant 0 : i32
    %dma_start3A_422 = tpu.memref_slice %dma_start3A_420[%dma_start3A_421] : memref<100000xf32, #tpu.memory_space<hbm>> -> memref<100000xf32, #tpu.memory_space<hbm>>
    tpu.enqueue_indirect_dma source(%dma_start3A_422 : memref<100000xf32, #tpu.memory_space<hbm>>) target(%dma_start3A_416 : memref<512xf32, #tpu.memory_space<vmem>>) offsets(%dma_start3A_418 : memref<512xi32, #tpu.memory_space<vmem>>) semaphore(%arg11 : memref<!tpu.dma_semaphore, #tpu.memory_space<semaphore_mem>>)
    %dma_start3A_423 = arith.constant 3584 : i32
    %dma_start3A_424 = tpu.memref_slice %arg7[%dma_start3A_423] : memref<13312xf32, #tpu.memory_space<vmem>> -> memref<512xf32, #tpu.memory_space<vmem>>
    %dma_start3A_425 = arith.constant 3584 : i32
    %dma_start3A_426 = tpu.memref_slice %arg6[%dma_start3A_425] : memref<13312xi32, #tpu.memory_space<vmem>> -> memref<512xi32, #tpu.memory_space<vmem>>
    %dma_start3A_427 = arith.constant 700000 : i32
    %dma_start3A_428 = tpu.memref_slice %arg3[%dma_start3A_427] : memref<2600000xf32, #tpu.memory_space<hbm>> -> memref<100000xf32, #tpu.memory_space<hbm>>
    %dma_start3A_429 = arith.constant 0 : i32
    %dma_start3A_430 = tpu.memref_slice %dma_start3A_428[%dma_start3A_429] : memref<100000xf32, #tpu.memory_space<hbm>> -> memref<100000xf32, #tpu.memory_space<hbm>>
    tpu.enqueue_indirect_dma source(%dma_start3A_430 : memref<100000xf32, #tpu.memory_space<hbm>>) target(%dma_start3A_424 : memref<512xf32, #tpu.memory_space<vmem>>) offsets(%dma_start3A_426 : memref<512xi32, #tpu.memory_space<vmem>>) semaphore(%arg11 : memref<!tpu.dma_semaphore, #tpu.memory_space<semaphore_mem>>)
    %dma_start3A_431 = arith.constant 4096 : i32
    %dma_start3A_432 = tpu.memref_slice %arg7[%dma_start3A_431] : memref<13312xf32, #tpu.memory_space<vmem>> -> memref<512xf32, #tpu.memory_space<vmem>>
    %dma_start3A_433 = arith.constant 4096 : i32
    %dma_start3A_434 = tpu.memref_slice %arg6[%dma_start3A_433] : memref<13312xi32, #tpu.memory_space<vmem>> -> memref<512xi32, #tpu.memory_space<vmem>>
    %dma_start3A_435 = arith.constant 800000 : i32
    %dma_start3A_436 = tpu.memref_slice %arg3[%dma_start3A_435] : memref<2600000xf32, #tpu.memory_space<hbm>> -> memref<100000xf32, #tpu.memory_space<hbm>>
    %dma_start3A_437 = arith.constant 0 : i32
    %dma_start3A_438 = tpu.memref_slice %dma_start3A_436[%dma_start3A_437] : memref<100000xf32, #tpu.memory_space<hbm>> -> memref<100000xf32, #tpu.memory_space<hbm>>
    tpu.enqueue_indirect_dma source(%dma_start3A_438 : memref<100000xf32, #tpu.memory_space<hbm>>) target(%dma_start3A_432 : memref<512xf32, #tpu.memory_space<vmem>>) offsets(%dma_start3A_434 : memref<512xi32, #tpu.memory_space<vmem>>) semaphore(%arg11 : memref<!tpu.dma_semaphore, #tpu.memory_space<semaphore_mem>>)
    %dma_start3A_439 = arith.constant 4608 : i32
    %dma_start3A_440 = tpu.memref_slice %arg7[%dma_start3A_439] : memref<13312xf32, #tpu.memory_space<vmem>> -> memref<512xf32, #tpu.memory_space<vmem>>
    %dma_start3A_441 = arith.constant 4608 : i32
    %dma_start3A_442 = tpu.memref_slice %arg6[%dma_start3A_441] : memref<13312xi32, #tpu.memory_space<vmem>> -> memref<512xi32, #tpu.memory_space<vmem>>
    %dma_start3A_443 = arith.constant 900000 : i32
    %dma_start3A_444 = tpu.memref_slice %arg3[%dma_start3A_443] : memref<2600000xf32, #tpu.memory_space<hbm>> -> memref<100000xf32, #tpu.memory_space<hbm>>
    %dma_start3A_445 = arith.constant 0 : i32
    %dma_start3A_446 = tpu.memref_slice %dma_start3A_444[%dma_start3A_445] : memref<100000xf32, #tpu.memory_space<hbm>> -> memref<100000xf32, #tpu.memory_space<hbm>>
    tpu.enqueue_indirect_dma source(%dma_start3A_446 : memref<100000xf32, #tpu.memory_space<hbm>>) target(%dma_start3A_440 : memref<512xf32, #tpu.memory_space<vmem>>) offsets(%dma_start3A_442 : memref<512xi32, #tpu.memory_space<vmem>>) semaphore(%arg11 : memref<!tpu.dma_semaphore, #tpu.memory_space<semaphore_mem>>)
    %dma_start3A_447 = arith.constant 5120 : i32
    %dma_start3A_448 = tpu.memref_slice %arg7[%dma_start3A_447] : memref<13312xf32, #tpu.memory_space<vmem>> -> memref<512xf32, #tpu.memory_space<vmem>>
    %dma_start3A_449 = arith.constant 5120 : i32
    %dma_start3A_450 = tpu.memref_slice %arg6[%dma_start3A_449] : memref<13312xi32, #tpu.memory_space<vmem>> -> memref<512xi32, #tpu.memory_space<vmem>>
    %dma_start3A_451 = arith.constant 1000000 : i32
    %dma_start3A_452 = tpu.memref_slice %arg3[%dma_start3A_451] : memref<2600000xf32, #tpu.memory_space<hbm>> -> memref<100000xf32, #tpu.memory_space<hbm>>
    %dma_start3A_453 = arith.constant 0 : i32
    %dma_start3A_454 = tpu.memref_slice %dma_start3A_452[%dma_start3A_453] : memref<100000xf32, #tpu.memory_space<hbm>> -> memref<100000xf32, #tpu.memory_space<hbm>>
    tpu.enqueue_indirect_dma source(%dma_start3A_454 : memref<100000xf32, #tpu.memory_space<hbm>>) target(%dma_start3A_448 : memref<512xf32, #tpu.memory_space<vmem>>) offsets(%dma_start3A_450 : memref<512xi32, #tpu.memory_space<vmem>>) semaphore(%arg11 : memref<!tpu.dma_semaphore, #tpu.memory_space<semaphore_mem>>)
    %dma_start3A_455 = arith.constant 5632 : i32
    %dma_start3A_456 = tpu.memref_slice %arg7[%dma_start3A_455] : memref<13312xf32, #tpu.memory_space<vmem>> -> memref<512xf32, #tpu.memory_space<vmem>>
    %dma_start3A_457 = arith.constant 5632 : i32
    %dma_start3A_458 = tpu.memref_slice %arg6[%dma_start3A_457] : memref<13312xi32, #tpu.memory_space<vmem>> -> memref<512xi32, #tpu.memory_space<vmem>>
    %dma_start3A_459 = arith.constant 1100000 : i32
    %dma_start3A_460 = tpu.memref_slice %arg3[%dma_start3A_459] : memref<2600000xf32, #tpu.memory_space<hbm>> -> memref<100000xf32, #tpu.memory_space<hbm>>
    %dma_start3A_461 = arith.constant 0 : i32
    %dma_start3A_462 = tpu.memref_slice %dma_start3A_460[%dma_start3A_461] : memref<100000xf32, #tpu.memory_space<hbm>> -> memref<100000xf32, #tpu.memory_space<hbm>>
    tpu.enqueue_indirect_dma source(%dma_start3A_462 : memref<100000xf32, #tpu.memory_space<hbm>>) target(%dma_start3A_456 : memref<512xf32, #tpu.memory_space<vmem>>) offsets(%dma_start3A_458 : memref<512xi32, #tpu.memory_space<vmem>>) semaphore(%arg11 : memref<!tpu.dma_semaphore, #tpu.memory_space<semaphore_mem>>)
    %dma_start3A_463 = arith.constant 6144 : i32
    %dma_start3A_464 = tpu.memref_slice %arg7[%dma_start3A_463] : memref<13312xf32, #tpu.memory_space<vmem>> -> memref<512xf32, #tpu.memory_space<vmem>>
    %dma_start3A_465 = arith.constant 6144 : i32
    %dma_start3A_466 = tpu.memref_slice %arg6[%dma_start3A_465] : memref<13312xi32, #tpu.memory_space<vmem>> -> memref<512xi32, #tpu.memory_space<vmem>>
    %dma_start3A_467 = arith.constant 1200000 : i32
    %dma_start3A_468 = tpu.memref_slice %arg3[%dma_start3A_467] : memref<2600000xf32, #tpu.memory_space<hbm>> -> memref<100000xf32, #tpu.memory_space<hbm>>
    %dma_start3A_469 = arith.constant 0 : i32
    %dma_start3A_470 = tpu.memref_slice %dma_start3A_468[%dma_start3A_469] : memref<100000xf32, #tpu.memory_space<hbm>> -> memref<100000xf32, #tpu.memory_space<hbm>>
    tpu.enqueue_indirect_dma source(%dma_start3A_470 : memref<100000xf32, #tpu.memory_space<hbm>>) target(%dma_start3A_464 : memref<512xf32, #tpu.memory_space<vmem>>) offsets(%dma_start3A_466 : memref<512xi32, #tpu.memory_space<vmem>>) semaphore(%arg11 : memref<!tpu.dma_semaphore, #tpu.memory_space<semaphore_mem>>)
    %dma_start3A_471 = arith.constant 6656 : i32
    %dma_start3A_472 = tpu.memref_slice %arg7[%dma_start3A_471] : memref<13312xf32, #tpu.memory_space<vmem>> -> memref<512xf32, #tpu.memory_space<vmem>>
    %dma_start3A_473 = arith.constant 6656 : i32
    %dma_start3A_474 = tpu.memref_slice %arg6[%dma_start3A_473] : memref<13312xi32, #tpu.memory_space<vmem>> -> memref<512xi32, #tpu.memory_space<vmem>>
    %dma_start3A_475 = arith.constant 1300000 : i32
    %dma_start3A_476 = tpu.memref_slice %arg3[%dma_start3A_475] : memref<2600000xf32, #tpu.memory_space<hbm>> -> memref<100000xf32, #tpu.memory_space<hbm>>
    %dma_start3A_477 = arith.constant 0 : i32
    %dma_start3A_478 = tpu.memref_slice %dma_start3A_476[%dma_start3A_477] : memref<100000xf32, #tpu.memory_space<hbm>> -> memref<100000xf32, #tpu.memory_space<hbm>>
    tpu.enqueue_indirect_dma source(%dma_start3A_478 : memref<100000xf32, #tpu.memory_space<hbm>>) target(%dma_start3A_472 : memref<512xf32, #tpu.memory_space<vmem>>) offsets(%dma_start3A_474 : memref<512xi32, #tpu.memory_space<vmem>>) semaphore(%arg11 : memref<!tpu.dma_semaphore, #tpu.memory_space<semaphore_mem>>)
    %dma_start3A_479 = arith.constant 7168 : i32
    %dma_start3A_480 = tpu.memref_slice %arg7[%dma_start3A_479] : memref<13312xf32, #tpu.memory_space<vmem>> -> memref<512xf32, #tpu.memory_space<vmem>>
    %dma_start3A_481 = arith.constant 7168 : i32
    %dma_start3A_482 = tpu.memref_slice %arg6[%dma_start3A_481] : memref<13312xi32, #tpu.memory_space<vmem>> -> memref<512xi32, #tpu.memory_space<vmem>>
    %dma_start3A_483 = arith.constant 1400000 : i32
    %dma_start3A_484 = tpu.memref_slice %arg3[%dma_start3A_483] : memref<2600000xf32, #tpu.memory_space<hbm>> -> memref<100000xf32, #tpu.memory_space<hbm>>
    %dma_start3A_485 = arith.constant 0 : i32
    %dma_start3A_486 = tpu.memref_slice %dma_start3A_484[%dma_start3A_485] : memref<100000xf32, #tpu.memory_space<hbm>> -> memref<100000xf32, #tpu.memory_space<hbm>>
    tpu.enqueue_indirect_dma source(%dma_start3A_486 : memref<100000xf32, #tpu.memory_space<hbm>>) target(%dma_start3A_480 : memref<512xf32, #tpu.memory_space<vmem>>) offsets(%dma_start3A_482 : memref<512xi32, #tpu.memory_space<vmem>>) semaphore(%arg11 : memref<!tpu.dma_semaphore, #tpu.memory_space<semaphore_mem>>)
    %dma_start3A_487 = arith.constant 7680 : i32
    %dma_start3A_488 = tpu.memref_slice %arg7[%dma_start3A_487] : memref<13312xf32, #tpu.memory_space<vmem>> -> memref<512xf32, #tpu.memory_space<vmem>>
    %dma_start3A_489 = arith.constant 7680 : i32
    %dma_start3A_490 = tpu.memref_slice %arg6[%dma_start3A_489] : memref<13312xi32, #tpu.memory_space<vmem>> -> memref<512xi32, #tpu.memory_space<vmem>>
    %dma_start3A_491 = arith.constant 1500000 : i32
    %dma_start3A_492 = tpu.memref_slice %arg3[%dma_start3A_491] : memref<2600000xf32, #tpu.memory_space<hbm>> -> memref<100000xf32, #tpu.memory_space<hbm>>
    %dma_start3A_493 = arith.constant 0 : i32
    %dma_start3A_494 = tpu.memref_slice %dma_start3A_492[%dma_start3A_493] : memref<100000xf32, #tpu.memory_space<hbm>> -> memref<100000xf32, #tpu.memory_space<hbm>>
    tpu.enqueue_indirect_dma source(%dma_start3A_494 : memref<100000xf32, #tpu.memory_space<hbm>>) target(%dma_start3A_488 : memref<512xf32, #tpu.memory_space<vmem>>) offsets(%dma_start3A_490 : memref<512xi32, #tpu.memory_space<vmem>>) semaphore(%arg11 : memref<!tpu.dma_semaphore, #tpu.memory_space<semaphore_mem>>)
    %dma_start3A_495 = arith.constant 8192 : i32
    %dma_start3A_496 = tpu.memref_slice %arg7[%dma_start3A_495] : memref<13312xf32, #tpu.memory_space<vmem>> -> memref<512xf32, #tpu.memory_space<vmem>>
    %dma_start3A_497 = arith.constant 8192 : i32
    %dma_start3A_498 = tpu.memref_slice %arg6[%dma_start3A_497] : memref<13312xi32, #tpu.memory_space<vmem>> -> memref<512xi32, #tpu.memory_space<vmem>>
    %dma_start3A_499 = arith.constant 1600000 : i32
    %dma_start3A_500 = tpu.memref_slice %arg3[%dma_start3A_499] : memref<2600000xf32, #tpu.memory_space<hbm>> -> memref<100000xf32, #tpu.memory_space<hbm>>
    %dma_start3A_501 = arith.constant 0 : i32
    %dma_start3A_502 = tpu.memref_slice %dma_start3A_500[%dma_start3A_501] : memref<100000xf32, #tpu.memory_space<hbm>> -> memref<100000xf32, #tpu.memory_space<hbm>>
    tpu.enqueue_indirect_dma source(%dma_start3A_502 : memref<100000xf32, #tpu.memory_space<hbm>>) target(%dma_start3A_496 : memref<512xf32, #tpu.memory_space<vmem>>) offsets(%dma_start3A_498 : memref<512xi32, #tpu.memory_space<vmem>>) semaphore(%arg11 : memref<!tpu.dma_semaphore, #tpu.memory_space<semaphore_mem>>)
    %dma_start3A_503 = arith.constant 8704 : i32
    %dma_start3A_504 = tpu.memref_slice %arg7[%dma_start3A_503] : memref<13312xf32, #tpu.memory_space<vmem>> -> memref<512xf32, #tpu.memory_space<vmem>>
    %dma_start3A_505 = arith.constant 8704 : i32
    %dma_start3A_506 = tpu.memref_slice %arg6[%dma_start3A_505] : memref<13312xi32, #tpu.memory_space<vmem>> -> memref<512xi32, #tpu.memory_space<vmem>>
    %dma_start3A_507 = arith.constant 1700000 : i32
    %dma_start3A_508 = tpu.memref_slice %arg3[%dma_start3A_507] : memref<2600000xf32, #tpu.memory_space<hbm>> -> memref<100000xf32, #tpu.memory_space<hbm>>
    %dma_start3A_509 = arith.constant 0 : i32
    %dma_start3A_510 = tpu.memref_slice %dma_start3A_508[%dma_start3A_509] : memref<100000xf32, #tpu.memory_space<hbm>> -> memref<100000xf32, #tpu.memory_space<hbm>>
    tpu.enqueue_indirect_dma source(%dma_start3A_510 : memref<100000xf32, #tpu.memory_space<hbm>>) target(%dma_start3A_504 : memref<512xf32, #tpu.memory_space<vmem>>) offsets(%dma_start3A_506 : memref<512xi32, #tpu.memory_space<vmem>>) semaphore(%arg11 : memref<!tpu.dma_semaphore, #tpu.memory_space<semaphore_mem>>)
    %dma_start3A_511 = arith.constant 9216 : i32
    %dma_start3A_512 = tpu.memref_slice %arg7[%dma_start3A_511] : memref<13312xf32, #tpu.memory_space<vmem>> -> memref<512xf32, #tpu.memory_space<vmem>>
    %dma_start3A_513 = arith.constant 9216 : i32
    %dma_start3A_514 = tpu.memref_slice %arg6[%dma_start3A_513] : memref<13312xi32, #tpu.memory_space<vmem>> -> memref<512xi32, #tpu.memory_space<vmem>>
    %dma_start3A_515 = arith.constant 1800000 : i32
    %dma_start3A_516 = tpu.memref_slice %arg3[%dma_start3A_515] : memref<2600000xf32, #tpu.memory_space<hbm>> -> memref<100000xf32, #tpu.memory_space<hbm>>
    %dma_start3A_517 = arith.constant 0 : i32
    %dma_start3A_518 = tpu.memref_slice %dma_start3A_516[%dma_start3A_517] : memref<100000xf32, #tpu.memory_space<hbm>> -> memref<100000xf32, #tpu.memory_space<hbm>>
    tpu.enqueue_indirect_dma source(%dma_start3A_518 : memref<100000xf32, #tpu.memory_space<hbm>>) target(%dma_start3A_512 : memref<512xf32, #tpu.memory_space<vmem>>) offsets(%dma_start3A_514 : memref<512xi32, #tpu.memory_space<vmem>>) semaphore(%arg11 : memref<!tpu.dma_semaphore, #tpu.memory_space<semaphore_mem>>)
    %dma_start3A_519 = arith.constant 9728 : i32
    %dma_start3A_520 = tpu.memref_slice %arg7[%dma_start3A_519] : memref<13312xf32, #tpu.memory_space<vmem>> -> memref<512xf32, #tpu.memory_space<vmem>>
    %dma_start3A_521 = arith.constant 9728 : i32
    %dma_start3A_522 = tpu.memref_slice %arg6[%dma_start3A_521] : memref<13312xi32, #tpu.memory_space<vmem>> -> memref<512xi32, #tpu.memory_space<vmem>>
    %dma_start3A_523 = arith.constant 1900000 : i32
    %dma_start3A_524 = tpu.memref_slice %arg3[%dma_start3A_523] : memref<2600000xf32, #tpu.memory_space<hbm>> -> memref<100000xf32, #tpu.memory_space<hbm>>
    %dma_start3A_525 = arith.constant 0 : i32
    %dma_start3A_526 = tpu.memref_slice %dma_start3A_524[%dma_start3A_525] : memref<100000xf32, #tpu.memory_space<hbm>> -> memref<100000xf32, #tpu.memory_space<hbm>>
    tpu.enqueue_indirect_dma source(%dma_start3A_526 : memref<100000xf32, #tpu.memory_space<hbm>>) target(%dma_start3A_520 : memref<512xf32, #tpu.memory_space<vmem>>) offsets(%dma_start3A_522 : memref<512xi32, #tpu.memory_space<vmem>>) semaphore(%arg11 : memref<!tpu.dma_semaphore, #tpu.memory_space<semaphore_mem>>)
    %dma_start3A_527 = arith.constant 10240 : i32
    %dma_start3A_528 = tpu.memref_slice %arg7[%dma_start3A_527] : memref<13312xf32, #tpu.memory_space<vmem>> -> memref<512xf32, #tpu.memory_space<vmem>>
    %dma_start3A_529 = arith.constant 10240 : i32
    %dma_start3A_530 = tpu.memref_slice %arg6[%dma_start3A_529] : memref<13312xi32, #tpu.memory_space<vmem>> -> memref<512xi32, #tpu.memory_space<vmem>>
    %dma_start3A_531 = arith.constant 2000000 : i32
    %dma_start3A_532 = tpu.memref_slice %arg3[%dma_start3A_531] : memref<2600000xf32, #tpu.memory_space<hbm>> -> memref<100000xf32, #tpu.memory_space<hbm>>
    %dma_start3A_533 = arith.constant 0 : i32
    %dma_start3A_534 = tpu.memref_slice %dma_start3A_532[%dma_start3A_533] : memref<100000xf32, #tpu.memory_space<hbm>> -> memref<100000xf32, #tpu.memory_space<hbm>>
    tpu.enqueue_indirect_dma source(%dma_start3A_534 : memref<100000xf32, #tpu.memory_space<hbm>>) target(%dma_start3A_528 : memref<512xf32, #tpu.memory_space<vmem>>) offsets(%dma_start3A_530 : memref<512xi32, #tpu.memory_space<vmem>>) semaphore(%arg11 : memref<!tpu.dma_semaphore, #tpu.memory_space<semaphore_mem>>)
    %dma_start3A_535 = arith.constant 10752 : i32
    %dma_start3A_536 = tpu.memref_slice %arg7[%dma_start3A_535] : memref<13312xf32, #tpu.memory_space<vmem>> -> memref<512xf32, #tpu.memory_space<vmem>>
    %dma_start3A_537 = arith.constant 10752 : i32
    %dma_start3A_538 = tpu.memref_slice %arg6[%dma_start3A_537] : memref<13312xi32, #tpu.memory_space<vmem>> -> memref<512xi32, #tpu.memory_space<vmem>>
    %dma_start3A_539 = arith.constant 2100000 : i32
    %dma_start3A_540 = tpu.memref_slice %arg3[%dma_start3A_539] : memref<2600000xf32, #tpu.memory_space<hbm>> -> memref<100000xf32, #tpu.memory_space<hbm>>
    %dma_start3A_541 = arith.constant 0 : i32
    %dma_start3A_542 = tpu.memref_slice %dma_start3A_540[%dma_start3A_541] : memref<100000xf32, #tpu.memory_space<hbm>> -> memref<100000xf32, #tpu.memory_space<hbm>>
    tpu.enqueue_indirect_dma source(%dma_start3A_542 : memref<100000xf32, #tpu.memory_space<hbm>>) target(%dma_start3A_536 : memref<512xf32, #tpu.memory_space<vmem>>) offsets(%dma_start3A_538 : memref<512xi32, #tpu.memory_space<vmem>>) semaphore(%arg11 : memref<!tpu.dma_semaphore, #tpu.memory_space<semaphore_mem>>)
    %dma_start3A_543 = arith.constant 11264 : i32
    %dma_start3A_544 = tpu.memref_slice %arg7[%dma_start3A_543] : memref<13312xf32, #tpu.memory_space<vmem>> -> memref<512xf32, #tpu.memory_space<vmem>>
    %dma_start3A_545 = arith.constant 11264 : i32
    %dma_start3A_546 = tpu.memref_slice %arg6[%dma_start3A_545] : memref<13312xi32, #tpu.memory_space<vmem>> -> memref<512xi32, #tpu.memory_space<vmem>>
    %dma_start3A_547 = arith.constant 2200000 : i32
    %dma_start3A_548 = tpu.memref_slice %arg3[%dma_start3A_547] : memref<2600000xf32, #tpu.memory_space<hbm>> -> memref<100000xf32, #tpu.memory_space<hbm>>
    %dma_start3A_549 = arith.constant 0 : i32
    %dma_start3A_550 = tpu.memref_slice %dma_start3A_548[%dma_start3A_549] : memref<100000xf32, #tpu.memory_space<hbm>> -> memref<100000xf32, #tpu.memory_space<hbm>>
    tpu.enqueue_indirect_dma source(%dma_start3A_550 : memref<100000xf32, #tpu.memory_space<hbm>>) target(%dma_start3A_544 : memref<512xf32, #tpu.memory_space<vmem>>) offsets(%dma_start3A_546 : memref<512xi32, #tpu.memory_space<vmem>>) semaphore(%arg11 : memref<!tpu.dma_semaphore, #tpu.memory_space<semaphore_mem>>)
    %dma_start3A_551 = arith.constant 11776 : i32
    %dma_start3A_552 = tpu.memref_slice %arg7[%dma_start3A_551] : memref<13312xf32, #tpu.memory_space<vmem>> -> memref<512xf32, #tpu.memory_space<vmem>>
    %dma_start3A_553 = arith.constant 11776 : i32
    %dma_start3A_554 = tpu.memref_slice %arg6[%dma_start3A_553] : memref<13312xi32, #tpu.memory_space<vmem>> -> memref<512xi32, #tpu.memory_space<vmem>>
    %dma_start3A_555 = arith.constant 2300000 : i32
    %dma_start3A_556 = tpu.memref_slice %arg3[%dma_start3A_555] : memref<2600000xf32, #tpu.memory_space<hbm>> -> memref<100000xf32, #tpu.memory_space<hbm>>
    %dma_start3A_557 = arith.constant 0 : i32
    %dma_start3A_558 = tpu.memref_slice %dma_start3A_556[%dma_start3A_557] : memref<100000xf32, #tpu.memory_space<hbm>> -> memref<100000xf32, #tpu.memory_space<hbm>>
    tpu.enqueue_indirect_dma source(%dma_start3A_558 : memref<100000xf32, #tpu.memory_space<hbm>>) target(%dma_start3A_552 : memref<512xf32, #tpu.memory_space<vmem>>) offsets(%dma_start3A_554 : memref<512xi32, #tpu.memory_space<vmem>>) semaphore(%arg11 : memref<!tpu.dma_semaphore, #tpu.memory_space<semaphore_mem>>)
    %dma_start3A_559 = arith.constant 12288 : i32
    %dma_start3A_560 = tpu.memref_slice %arg7[%dma_start3A_559] : memref<13312xf32, #tpu.memory_space<vmem>> -> memref<512xf32, #tpu.memory_space<vmem>>
    %dma_start3A_561 = arith.constant 12288 : i32
    %dma_start3A_562 = tpu.memref_slice %arg6[%dma_start3A_561] : memref<13312xi32, #tpu.memory_space<vmem>> -> memref<512xi32, #tpu.memory_space<vmem>>
    %dma_start3A_563 = arith.constant 2400000 : i32
    %dma_start3A_564 = tpu.memref_slice %arg3[%dma_start3A_563] : memref<2600000xf32, #tpu.memory_space<hbm>> -> memref<100000xf32, #tpu.memory_space<hbm>>
    %dma_start3A_565 = arith.constant 0 : i32
    %dma_start3A_566 = tpu.memref_slice %dma_start3A_564[%dma_start3A_565] : memref<100000xf32, #tpu.memory_space<hbm>> -> memref<100000xf32, #tpu.memory_space<hbm>>
    tpu.enqueue_indirect_dma source(%dma_start3A_566 : memref<100000xf32, #tpu.memory_space<hbm>>) target(%dma_start3A_560 : memref<512xf32, #tpu.memory_space<vmem>>) offsets(%dma_start3A_562 : memref<512xi32, #tpu.memory_space<vmem>>) semaphore(%arg11 : memref<!tpu.dma_semaphore, #tpu.memory_space<semaphore_mem>>)
    %dma_start3A_567 = arith.constant 12800 : i32
    %dma_start3A_568 = tpu.memref_slice %arg7[%dma_start3A_567] : memref<13312xf32, #tpu.memory_space<vmem>> -> memref<512xf32, #tpu.memory_space<vmem>>
    %dma_start3A_569 = arith.constant 12800 : i32
    %dma_start3A_570 = tpu.memref_slice %arg6[%dma_start3A_569] : memref<13312xi32, #tpu.memory_space<vmem>> -> memref<512xi32, #tpu.memory_space<vmem>>
    %dma_start3A_571 = arith.constant 2500000 : i32
    %dma_start3A_572 = tpu.memref_slice %arg3[%dma_start3A_571] : memref<2600000xf32, #tpu.memory_space<hbm>> -> memref<100000xf32, #tpu.memory_space<hbm>>
    %dma_start3A_573 = arith.constant 0 : i32
    %dma_start3A_574 = tpu.memref_slice %dma_start3A_572[%dma_start3A_573] : memref<100000xf32, #tpu.memory_space<hbm>> -> memref<100000xf32, #tpu.memory_space<hbm>>
    tpu.enqueue_indirect_dma source(%dma_start3A_574 : memref<100000xf32, #tpu.memory_space<hbm>>) target(%dma_start3A_568 : memref<512xf32, #tpu.memory_space<vmem>>) offsets(%dma_start3A_570 : memref<512xi32, #tpu.memory_space<vmem>>) semaphore(%arg11 : memref<!tpu.dma_semaphore, #tpu.memory_space<semaphore_mem>>)
    %dma_wait3A_575 = arith.constant 0 : i32
    %dma_wait3A_576 = tpu.memref_slice %arg7[%dma_wait3A_575] : memref<13312xf32, #tpu.memory_space<vmem>> -> memref<512xf32, #tpu.memory_space<vmem>>
    %dma_wait3A_577 = arith.constant 0 : i32
    %dma_wait3A_578 = tpu.memref_slice %arg6[%dma_wait3A_577] : memref<13312xi32, #tpu.memory_space<vmem>> -> memref<512xi32, #tpu.memory_space<vmem>>
    %dma_wait3A_579 = arith.constant 0 : i32
    %dma_wait3A_580 = tpu.memref_slice %arg3[%dma_wait3A_579] : memref<2600000xf32, #tpu.memory_space<hbm>> -> memref<100000xf32, #tpu.memory_space<hbm>>
    %dma_wait3A_581 = arith.constant 0 : i32
    %dma_wait3A_582 = tpu.memref_slice %dma_wait3A_580[%dma_wait3A_581] : memref<100000xf32, #tpu.memory_space<hbm>> -> memref<100000xf32, #tpu.memory_space<hbm>>
    tpu.wait_indirect_dma semaphore(%arg11 : memref<!tpu.dma_semaphore, #tpu.memory_space<semaphore_mem>>) src(%dma_wait3A_582 : memref<100000xf32, #tpu.memory_space<hbm>>) dst(%dma_wait3A_576 : memref<512xf32, #tpu.memory_space<vmem>>)
    %dma_wait3A_583 = arith.constant 512 : i32
    %dma_wait3A_584 = tpu.memref_slice %arg7[%dma_wait3A_583] : memref<13312xf32, #tpu.memory_space<vmem>> -> memref<512xf32, #tpu.memory_space<vmem>>
    %dma_wait3A_585 = arith.constant 512 : i32
    %dma_wait3A_586 = tpu.memref_slice %arg6[%dma_wait3A_585] : memref<13312xi32, #tpu.memory_space<vmem>> -> memref<512xi32, #tpu.memory_space<vmem>>
    %dma_wait3A_587 = arith.constant 100000 : i32
    %dma_wait3A_588 = tpu.memref_slice %arg3[%dma_wait3A_587] : memref<2600000xf32, #tpu.memory_space<hbm>> -> memref<100000xf32, #tpu.memory_space<hbm>>
    %dma_wait3A_589 = arith.constant 0 : i32
    %dma_wait3A_590 = tpu.memref_slice %dma_wait3A_588[%dma_wait3A_589] : memref<100000xf32, #tpu.memory_space<hbm>> -> memref<100000xf32, #tpu.memory_space<hbm>>
    tpu.wait_indirect_dma semaphore(%arg11 : memref<!tpu.dma_semaphore, #tpu.memory_space<semaphore_mem>>) src(%dma_wait3A_590 : memref<100000xf32, #tpu.memory_space<hbm>>) dst(%dma_wait3A_584 : memref<512xf32, #tpu.memory_space<vmem>>)
    %dma_wait3A_591 = arith.constant 1024 : i32
    %dma_wait3A_592 = tpu.memref_slice %arg7[%dma_wait3A_591] : memref<13312xf32, #tpu.memory_space<vmem>> -> memref<512xf32, #tpu.memory_space<vmem>>
    %dma_wait3A_593 = arith.constant 1024 : i32
    %dma_wait3A_594 = tpu.memref_slice %arg6[%dma_wait3A_593] : memref<13312xi32, #tpu.memory_space<vmem>> -> memref<512xi32, #tpu.memory_space<vmem>>
    %dma_wait3A_595 = arith.constant 200000 : i32
    %dma_wait3A_596 = tpu.memref_slice %arg3[%dma_wait3A_595] : memref<2600000xf32, #tpu.memory_space<hbm>> -> memref<100000xf32, #tpu.memory_space<hbm>>
    %dma_wait3A_597 = arith.constant 0 : i32
    %dma_wait3A_598 = tpu.memref_slice %dma_wait3A_596[%dma_wait3A_597] : memref<100000xf32, #tpu.memory_space<hbm>> -> memref<100000xf32, #tpu.memory_space<hbm>>
    tpu.wait_indirect_dma semaphore(%arg11 : memref<!tpu.dma_semaphore, #tpu.memory_space<semaphore_mem>>) src(%dma_wait3A_598 : memref<100000xf32, #tpu.memory_space<hbm>>) dst(%dma_wait3A_592 : memref<512xf32, #tpu.memory_space<vmem>>)
    %dma_wait3A_599 = arith.constant 1536 : i32
    %dma_wait3A_600 = tpu.memref_slice %arg7[%dma_wait3A_599] : memref<13312xf32, #tpu.memory_space<vmem>> -> memref<512xf32, #tpu.memory_space<vmem>>
    %dma_wait3A_601 = arith.constant 1536 : i32
    %dma_wait3A_602 = tpu.memref_slice %arg6[%dma_wait3A_601] : memref<13312xi32, #tpu.memory_space<vmem>> -> memref<512xi32, #tpu.memory_space<vmem>>
    %dma_wait3A_603 = arith.constant 300000 : i32
    %dma_wait3A_604 = tpu.memref_slice %arg3[%dma_wait3A_603] : memref<2600000xf32, #tpu.memory_space<hbm>> -> memref<100000xf32, #tpu.memory_space<hbm>>
    %dma_wait3A_605 = arith.constant 0 : i32
    %dma_wait3A_606 = tpu.memref_slice %dma_wait3A_604[%dma_wait3A_605] : memref<100000xf32, #tpu.memory_space<hbm>> -> memref<100000xf32, #tpu.memory_space<hbm>>
    tpu.wait_indirect_dma semaphore(%arg11 : memref<!tpu.dma_semaphore, #tpu.memory_space<semaphore_mem>>) src(%dma_wait3A_606 : memref<100000xf32, #tpu.memory_space<hbm>>) dst(%dma_wait3A_600 : memref<512xf32, #tpu.memory_space<vmem>>)
    %dma_wait3A_607 = arith.constant 2048 : i32
    %dma_wait3A_608 = tpu.memref_slice %arg7[%dma_wait3A_607] : memref<13312xf32, #tpu.memory_space<vmem>> -> memref<512xf32, #tpu.memory_space<vmem>>
    %dma_wait3A_609 = arith.constant 2048 : i32
    %dma_wait3A_610 = tpu.memref_slice %arg6[%dma_wait3A_609] : memref<13312xi32, #tpu.memory_space<vmem>> -> memref<512xi32, #tpu.memory_space<vmem>>
    %dma_wait3A_611 = arith.constant 400000 : i32
    %dma_wait3A_612 = tpu.memref_slice %arg3[%dma_wait3A_611] : memref<2600000xf32, #tpu.memory_space<hbm>> -> memref<100000xf32, #tpu.memory_space<hbm>>
    %dma_wait3A_613 = arith.constant 0 : i32
    %dma_wait3A_614 = tpu.memref_slice %dma_wait3A_612[%dma_wait3A_613] : memref<100000xf32, #tpu.memory_space<hbm>> -> memref<100000xf32, #tpu.memory_space<hbm>>
    tpu.wait_indirect_dma semaphore(%arg11 : memref<!tpu.dma_semaphore, #tpu.memory_space<semaphore_mem>>) src(%dma_wait3A_614 : memref<100000xf32, #tpu.memory_space<hbm>>) dst(%dma_wait3A_608 : memref<512xf32, #tpu.memory_space<vmem>>)
    %dma_wait3A_615 = arith.constant 2560 : i32
    %dma_wait3A_616 = tpu.memref_slice %arg7[%dma_wait3A_615] : memref<13312xf32, #tpu.memory_space<vmem>> -> memref<512xf32, #tpu.memory_space<vmem>>
    %dma_wait3A_617 = arith.constant 2560 : i32
    %dma_wait3A_618 = tpu.memref_slice %arg6[%dma_wait3A_617] : memref<13312xi32, #tpu.memory_space<vmem>> -> memref<512xi32, #tpu.memory_space<vmem>>
    %dma_wait3A_619 = arith.constant 500000 : i32
    %dma_wait3A_620 = tpu.memref_slice %arg3[%dma_wait3A_619] : memref<2600000xf32, #tpu.memory_space<hbm>> -> memref<100000xf32, #tpu.memory_space<hbm>>
    %dma_wait3A_621 = arith.constant 0 : i32
    %dma_wait3A_622 = tpu.memref_slice %dma_wait3A_620[%dma_wait3A_621] : memref<100000xf32, #tpu.memory_space<hbm>> -> memref<100000xf32, #tpu.memory_space<hbm>>
    tpu.wait_indirect_dma semaphore(%arg11 : memref<!tpu.dma_semaphore, #tpu.memory_space<semaphore_mem>>) src(%dma_wait3A_622 : memref<100000xf32, #tpu.memory_space<hbm>>) dst(%dma_wait3A_616 : memref<512xf32, #tpu.memory_space<vmem>>)
    %dma_wait3A_623 = arith.constant 3072 : i32
    %dma_wait3A_624 = tpu.memref_slice %arg7[%dma_wait3A_623] : memref<13312xf32, #tpu.memory_space<vmem>> -> memref<512xf32, #tpu.memory_space<vmem>>
    %dma_wait3A_625 = arith.constant 3072 : i32
    %dma_wait3A_626 = tpu.memref_slice %arg6[%dma_wait3A_625] : memref<13312xi32, #tpu.memory_space<vmem>> -> memref<512xi32, #tpu.memory_space<vmem>>
    %dma_wait3A_627 = arith.constant 600000 : i32
    %dma_wait3A_628 = tpu.memref_slice %arg3[%dma_wait3A_627] : memref<2600000xf32, #tpu.memory_space<hbm>> -> memref<100000xf32, #tpu.memory_space<hbm>>
    %dma_wait3A_629 = arith.constant 0 : i32
    %dma_wait3A_630 = tpu.memref_slice %dma_wait3A_628[%dma_wait3A_629] : memref<100000xf32, #tpu.memory_space<hbm>> -> memref<100000xf32, #tpu.memory_space<hbm>>
    tpu.wait_indirect_dma semaphore(%arg11 : memref<!tpu.dma_semaphore, #tpu.memory_space<semaphore_mem>>) src(%dma_wait3A_630 : memref<100000xf32, #tpu.memory_space<hbm>>) dst(%dma_wait3A_624 : memref<512xf32, #tpu.memory_space<vmem>>)
    %dma_wait3A_631 = arith.constant 3584 : i32
    %dma_wait3A_632 = tpu.memref_slice %arg7[%dma_wait3A_631] : memref<13312xf32, #tpu.memory_space<vmem>> -> memref<512xf32, #tpu.memory_space<vmem>>
    %dma_wait3A_633 = arith.constant 3584 : i32
    %dma_wait3A_634 = tpu.memref_slice %arg6[%dma_wait3A_633] : memref<13312xi32, #tpu.memory_space<vmem>> -> memref<512xi32, #tpu.memory_space<vmem>>
    %dma_wait3A_635 = arith.constant 700000 : i32
    %dma_wait3A_636 = tpu.memref_slice %arg3[%dma_wait3A_635] : memref<2600000xf32, #tpu.memory_space<hbm>> -> memref<100000xf32, #tpu.memory_space<hbm>>
    %dma_wait3A_637 = arith.constant 0 : i32
    %dma_wait3A_638 = tpu.memref_slice %dma_wait3A_636[%dma_wait3A_637] : memref<100000xf32, #tpu.memory_space<hbm>> -> memref<100000xf32, #tpu.memory_space<hbm>>
    tpu.wait_indirect_dma semaphore(%arg11 : memref<!tpu.dma_semaphore, #tpu.memory_space<semaphore_mem>>) src(%dma_wait3A_638 : memref<100000xf32, #tpu.memory_space<hbm>>) dst(%dma_wait3A_632 : memref<512xf32, #tpu.memory_space<vmem>>)
    %dma_wait3A_639 = arith.constant 4096 : i32
    %dma_wait3A_640 = tpu.memref_slice %arg7[%dma_wait3A_639] : memref<13312xf32, #tpu.memory_space<vmem>> -> memref<512xf32, #tpu.memory_space<vmem>>
    %dma_wait3A_641 = arith.constant 4096 : i32
    %dma_wait3A_642 = tpu.memref_slice %arg6[%dma_wait3A_641] : memref<13312xi32, #tpu.memory_space<vmem>> -> memref<512xi32, #tpu.memory_space<vmem>>
    %dma_wait3A_643 = arith.constant 800000 : i32
    %dma_wait3A_644 = tpu.memref_slice %arg3[%dma_wait3A_643] : memref<2600000xf32, #tpu.memory_space<hbm>> -> memref<100000xf32, #tpu.memory_space<hbm>>
    %dma_wait3A_645 = arith.constant 0 : i32
    %dma_wait3A_646 = tpu.memref_slice %dma_wait3A_644[%dma_wait3A_645] : memref<100000xf32, #tpu.memory_space<hbm>> -> memref<100000xf32, #tpu.memory_space<hbm>>
    tpu.wait_indirect_dma semaphore(%arg11 : memref<!tpu.dma_semaphore, #tpu.memory_space<semaphore_mem>>) src(%dma_wait3A_646 : memref<100000xf32, #tpu.memory_space<hbm>>) dst(%dma_wait3A_640 : memref<512xf32, #tpu.memory_space<vmem>>)
    %dma_wait3A_647 = arith.constant 4608 : i32
    %dma_wait3A_648 = tpu.memref_slice %arg7[%dma_wait3A_647] : memref<13312xf32, #tpu.memory_space<vmem>> -> memref<512xf32, #tpu.memory_space<vmem>>
    %dma_wait3A_649 = arith.constant 4608 : i32
    %dma_wait3A_650 = tpu.memref_slice %arg6[%dma_wait3A_649] : memref<13312xi32, #tpu.memory_space<vmem>> -> memref<512xi32, #tpu.memory_space<vmem>>
    %dma_wait3A_651 = arith.constant 900000 : i32
    %dma_wait3A_652 = tpu.memref_slice %arg3[%dma_wait3A_651] : memref<2600000xf32, #tpu.memory_space<hbm>> -> memref<100000xf32, #tpu.memory_space<hbm>>
    %dma_wait3A_653 = arith.constant 0 : i32
    %dma_wait3A_654 = tpu.memref_slice %dma_wait3A_652[%dma_wait3A_653] : memref<100000xf32, #tpu.memory_space<hbm>> -> memref<100000xf32, #tpu.memory_space<hbm>>
    tpu.wait_indirect_dma semaphore(%arg11 : memref<!tpu.dma_semaphore, #tpu.memory_space<semaphore_mem>>) src(%dma_wait3A_654 : memref<100000xf32, #tpu.memory_space<hbm>>) dst(%dma_wait3A_648 : memref<512xf32, #tpu.memory_space<vmem>>)
    %dma_wait3A_655 = arith.constant 5120 : i32
    %dma_wait3A_656 = tpu.memref_slice %arg7[%dma_wait3A_655] : memref<13312xf32, #tpu.memory_space<vmem>> -> memref<512xf32, #tpu.memory_space<vmem>>
    %dma_wait3A_657 = arith.constant 5120 : i32
    %dma_wait3A_658 = tpu.memref_slice %arg6[%dma_wait3A_657] : memref<13312xi32, #tpu.memory_space<vmem>> -> memref<512xi32, #tpu.memory_space<vmem>>
    %dma_wait3A_659 = arith.constant 1000000 : i32
    %dma_wait3A_660 = tpu.memref_slice %arg3[%dma_wait3A_659] : memref<2600000xf32, #tpu.memory_space<hbm>> -> memref<100000xf32, #tpu.memory_space<hbm>>
    %dma_wait3A_661 = arith.constant 0 : i32
    %dma_wait3A_662 = tpu.memref_slice %dma_wait3A_660[%dma_wait3A_661] : memref<100000xf32, #tpu.memory_space<hbm>> -> memref<100000xf32, #tpu.memory_space<hbm>>
    tpu.wait_indirect_dma semaphore(%arg11 : memref<!tpu.dma_semaphore, #tpu.memory_space<semaphore_mem>>) src(%dma_wait3A_662 : memref<100000xf32, #tpu.memory_space<hbm>>) dst(%dma_wait3A_656 : memref<512xf32, #tpu.memory_space<vmem>>)
    %dma_wait3A_663 = arith.constant 5632 : i32
    %dma_wait3A_664 = tpu.memref_slice %arg7[%dma_wait3A_663] : memref<13312xf32, #tpu.memory_space<vmem>> -> memref<512xf32, #tpu.memory_space<vmem>>
    %dma_wait3A_665 = arith.constant 5632 : i32
    %dma_wait3A_666 = tpu.memref_slice %arg6[%dma_wait3A_665] : memref<13312xi32, #tpu.memory_space<vmem>> -> memref<512xi32, #tpu.memory_space<vmem>>
    %dma_wait3A_667 = arith.constant 1100000 : i32
    %dma_wait3A_668 = tpu.memref_slice %arg3[%dma_wait3A_667] : memref<2600000xf32, #tpu.memory_space<hbm>> -> memref<100000xf32, #tpu.memory_space<hbm>>
    %dma_wait3A_669 = arith.constant 0 : i32
    %dma_wait3A_670 = tpu.memref_slice %dma_wait3A_668[%dma_wait3A_669] : memref<100000xf32, #tpu.memory_space<hbm>> -> memref<100000xf32, #tpu.memory_space<hbm>>
    tpu.wait_indirect_dma semaphore(%arg11 : memref<!tpu.dma_semaphore, #tpu.memory_space<semaphore_mem>>) src(%dma_wait3A_670 : memref<100000xf32, #tpu.memory_space<hbm>>) dst(%dma_wait3A_664 : memref<512xf32, #tpu.memory_space<vmem>>)
    %dma_wait3A_671 = arith.constant 6144 : i32
    %dma_wait3A_672 = tpu.memref_slice %arg7[%dma_wait3A_671] : memref<13312xf32, #tpu.memory_space<vmem>> -> memref<512xf32, #tpu.memory_space<vmem>>
    %dma_wait3A_673 = arith.constant 6144 : i32
    %dma_wait3A_674 = tpu.memref_slice %arg6[%dma_wait3A_673] : memref<13312xi32, #tpu.memory_space<vmem>> -> memref<512xi32, #tpu.memory_space<vmem>>
    %dma_wait3A_675 = arith.constant 1200000 : i32
    %dma_wait3A_676 = tpu.memref_slice %arg3[%dma_wait3A_675] : memref<2600000xf32, #tpu.memory_space<hbm>> -> memref<100000xf32, #tpu.memory_space<hbm>>
    %dma_wait3A_677 = arith.constant 0 : i32
    %dma_wait3A_678 = tpu.memref_slice %dma_wait3A_676[%dma_wait3A_677] : memref<100000xf32, #tpu.memory_space<hbm>> -> memref<100000xf32, #tpu.memory_space<hbm>>
    tpu.wait_indirect_dma semaphore(%arg11 : memref<!tpu.dma_semaphore, #tpu.memory_space<semaphore_mem>>) src(%dma_wait3A_678 : memref<100000xf32, #tpu.memory_space<hbm>>) dst(%dma_wait3A_672 : memref<512xf32, #tpu.memory_space<vmem>>)
    %dma_wait3A_679 = arith.constant 6656 : i32
    %dma_wait3A_680 = tpu.memref_slice %arg7[%dma_wait3A_679] : memref<13312xf32, #tpu.memory_space<vmem>> -> memref<512xf32, #tpu.memory_space<vmem>>
    %dma_wait3A_681 = arith.constant 6656 : i32
    %dma_wait3A_682 = tpu.memref_slice %arg6[%dma_wait3A_681] : memref<13312xi32, #tpu.memory_space<vmem>> -> memref<512xi32, #tpu.memory_space<vmem>>
    %dma_wait3A_683 = arith.constant 1300000 : i32
    %dma_wait3A_684 = tpu.memref_slice %arg3[%dma_wait3A_683] : memref<2600000xf32, #tpu.memory_space<hbm>> -> memref<100000xf32, #tpu.memory_space<hbm>>
    %dma_wait3A_685 = arith.constant 0 : i32
    %dma_wait3A_686 = tpu.memref_slice %dma_wait3A_684[%dma_wait3A_685] : memref<100000xf32, #tpu.memory_space<hbm>> -> memref<100000xf32, #tpu.memory_space<hbm>>
    tpu.wait_indirect_dma semaphore(%arg11 : memref<!tpu.dma_semaphore, #tpu.memory_space<semaphore_mem>>) src(%dma_wait3A_686 : memref<100000xf32, #tpu.memory_space<hbm>>) dst(%dma_wait3A_680 : memref<512xf32, #tpu.memory_space<vmem>>)
    %dma_wait3A_687 = arith.constant 7168 : i32
    %dma_wait3A_688 = tpu.memref_slice %arg7[%dma_wait3A_687] : memref<13312xf32, #tpu.memory_space<vmem>> -> memref<512xf32, #tpu.memory_space<vmem>>
    %dma_wait3A_689 = arith.constant 7168 : i32
    %dma_wait3A_690 = tpu.memref_slice %arg6[%dma_wait3A_689] : memref<13312xi32, #tpu.memory_space<vmem>> -> memref<512xi32, #tpu.memory_space<vmem>>
    %dma_wait3A_691 = arith.constant 1400000 : i32
    %dma_wait3A_692 = tpu.memref_slice %arg3[%dma_wait3A_691] : memref<2600000xf32, #tpu.memory_space<hbm>> -> memref<100000xf32, #tpu.memory_space<hbm>>
    %dma_wait3A_693 = arith.constant 0 : i32
    %dma_wait3A_694 = tpu.memref_slice %dma_wait3A_692[%dma_wait3A_693] : memref<100000xf32, #tpu.memory_space<hbm>> -> memref<100000xf32, #tpu.memory_space<hbm>>
    tpu.wait_indirect_dma semaphore(%arg11 : memref<!tpu.dma_semaphore, #tpu.memory_space<semaphore_mem>>) src(%dma_wait3A_694 : memref<100000xf32, #tpu.memory_space<hbm>>) dst(%dma_wait3A_688 : memref<512xf32, #tpu.memory_space<vmem>>)
    %dma_wait3A_695 = arith.constant 7680 : i32
    %dma_wait3A_696 = tpu.memref_slice %arg7[%dma_wait3A_695] : memref<13312xf32, #tpu.memory_space<vmem>> -> memref<512xf32, #tpu.memory_space<vmem>>
    %dma_wait3A_697 = arith.constant 7680 : i32
    %dma_wait3A_698 = tpu.memref_slice %arg6[%dma_wait3A_697] : memref<13312xi32, #tpu.memory_space<vmem>> -> memref<512xi32, #tpu.memory_space<vmem>>
    %dma_wait3A_699 = arith.constant 1500000 : i32
    %dma_wait3A_700 = tpu.memref_slice %arg3[%dma_wait3A_699] : memref<2600000xf32, #tpu.memory_space<hbm>> -> memref<100000xf32, #tpu.memory_space<hbm>>
    %dma_wait3A_701 = arith.constant 0 : i32
    %dma_wait3A_702 = tpu.memref_slice %dma_wait3A_700[%dma_wait3A_701] : memref<100000xf32, #tpu.memory_space<hbm>> -> memref<100000xf32, #tpu.memory_space<hbm>>
    tpu.wait_indirect_dma semaphore(%arg11 : memref<!tpu.dma_semaphore, #tpu.memory_space<semaphore_mem>>) src(%dma_wait3A_702 : memref<100000xf32, #tpu.memory_space<hbm>>) dst(%dma_wait3A_696 : memref<512xf32, #tpu.memory_space<vmem>>)
    %dma_wait3A_703 = arith.constant 8192 : i32
    %dma_wait3A_704 = tpu.memref_slice %arg7[%dma_wait3A_703] : memref<13312xf32, #tpu.memory_space<vmem>> -> memref<512xf32, #tpu.memory_space<vmem>>
    %dma_wait3A_705 = arith.constant 8192 : i32
    %dma_wait3A_706 = tpu.memref_slice %arg6[%dma_wait3A_705] : memref<13312xi32, #tpu.memory_space<vmem>> -> memref<512xi32, #tpu.memory_space<vmem>>
    %dma_wait3A_707 = arith.constant 1600000 : i32
    %dma_wait3A_708 = tpu.memref_slice %arg3[%dma_wait3A_707] : memref<2600000xf32, #tpu.memory_space<hbm>> -> memref<100000xf32, #tpu.memory_space<hbm>>
    %dma_wait3A_709 = arith.constant 0 : i32
    %dma_wait3A_710 = tpu.memref_slice %dma_wait3A_708[%dma_wait3A_709] : memref<100000xf32, #tpu.memory_space<hbm>> -> memref<100000xf32, #tpu.memory_space<hbm>>
    tpu.wait_indirect_dma semaphore(%arg11 : memref<!tpu.dma_semaphore, #tpu.memory_space<semaphore_mem>>) src(%dma_wait3A_710 : memref<100000xf32, #tpu.memory_space<hbm>>) dst(%dma_wait3A_704 : memref<512xf32, #tpu.memory_space<vmem>>)
    %dma_wait3A_711 = arith.constant 8704 : i32
    %dma_wait3A_712 = tpu.memref_slice %arg7[%dma_wait3A_711] : memref<13312xf32, #tpu.memory_space<vmem>> -> memref<512xf32, #tpu.memory_space<vmem>>
    %dma_wait3A_713 = arith.constant 8704 : i32
    %dma_wait3A_714 = tpu.memref_slice %arg6[%dma_wait3A_713] : memref<13312xi32, #tpu.memory_space<vmem>> -> memref<512xi32, #tpu.memory_space<vmem>>
    %dma_wait3A_715 = arith.constant 1700000 : i32
    %dma_wait3A_716 = tpu.memref_slice %arg3[%dma_wait3A_715] : memref<2600000xf32, #tpu.memory_space<hbm>> -> memref<100000xf32, #tpu.memory_space<hbm>>
    %dma_wait3A_717 = arith.constant 0 : i32
    %dma_wait3A_718 = tpu.memref_slice %dma_wait3A_716[%dma_wait3A_717] : memref<100000xf32, #tpu.memory_space<hbm>> -> memref<100000xf32, #tpu.memory_space<hbm>>
    tpu.wait_indirect_dma semaphore(%arg11 : memref<!tpu.dma_semaphore, #tpu.memory_space<semaphore_mem>>) src(%dma_wait3A_718 : memref<100000xf32, #tpu.memory_space<hbm>>) dst(%dma_wait3A_712 : memref<512xf32, #tpu.memory_space<vmem>>)
    %dma_wait3A_719 = arith.constant 9216 : i32
    %dma_wait3A_720 = tpu.memref_slice %arg7[%dma_wait3A_719] : memref<13312xf32, #tpu.memory_space<vmem>> -> memref<512xf32, #tpu.memory_space<vmem>>
    %dma_wait3A_721 = arith.constant 9216 : i32
    %dma_wait3A_722 = tpu.memref_slice %arg6[%dma_wait3A_721] : memref<13312xi32, #tpu.memory_space<vmem>> -> memref<512xi32, #tpu.memory_space<vmem>>
    %dma_wait3A_723 = arith.constant 1800000 : i32
    %dma_wait3A_724 = tpu.memref_slice %arg3[%dma_wait3A_723] : memref<2600000xf32, #tpu.memory_space<hbm>> -> memref<100000xf32, #tpu.memory_space<hbm>>
    %dma_wait3A_725 = arith.constant 0 : i32
    %dma_wait3A_726 = tpu.memref_slice %dma_wait3A_724[%dma_wait3A_725] : memref<100000xf32, #tpu.memory_space<hbm>> -> memref<100000xf32, #tpu.memory_space<hbm>>
    tpu.wait_indirect_dma semaphore(%arg11 : memref<!tpu.dma_semaphore, #tpu.memory_space<semaphore_mem>>) src(%dma_wait3A_726 : memref<100000xf32, #tpu.memory_space<hbm>>) dst(%dma_wait3A_720 : memref<512xf32, #tpu.memory_space<vmem>>)
    %dma_wait3A_727 = arith.constant 9728 : i32
    %dma_wait3A_728 = tpu.memref_slice %arg7[%dma_wait3A_727] : memref<13312xf32, #tpu.memory_space<vmem>> -> memref<512xf32, #tpu.memory_space<vmem>>
    %dma_wait3A_729 = arith.constant 9728 : i32
    %dma_wait3A_730 = tpu.memref_slice %arg6[%dma_wait3A_729] : memref<13312xi32, #tpu.memory_space<vmem>> -> memref<512xi32, #tpu.memory_space<vmem>>
    %dma_wait3A_731 = arith.constant 1900000 : i32
    %dma_wait3A_732 = tpu.memref_slice %arg3[%dma_wait3A_731] : memref<2600000xf32, #tpu.memory_space<hbm>> -> memref<100000xf32, #tpu.memory_space<hbm>>
    %dma_wait3A_733 = arith.constant 0 : i32
    %dma_wait3A_734 = tpu.memref_slice %dma_wait3A_732[%dma_wait3A_733] : memref<100000xf32, #tpu.memory_space<hbm>> -> memref<100000xf32, #tpu.memory_space<hbm>>
    tpu.wait_indirect_dma semaphore(%arg11 : memref<!tpu.dma_semaphore, #tpu.memory_space<semaphore_mem>>) src(%dma_wait3A_734 : memref<100000xf32, #tpu.memory_space<hbm>>) dst(%dma_wait3A_728 : memref<512xf32, #tpu.memory_space<vmem>>)
    %dma_wait3A_735 = arith.constant 10240 : i32
    %dma_wait3A_736 = tpu.memref_slice %arg7[%dma_wait3A_735] : memref<13312xf32, #tpu.memory_space<vmem>> -> memref<512xf32, #tpu.memory_space<vmem>>
    %dma_wait3A_737 = arith.constant 10240 : i32
    %dma_wait3A_738 = tpu.memref_slice %arg6[%dma_wait3A_737] : memref<13312xi32, #tpu.memory_space<vmem>> -> memref<512xi32, #tpu.memory_space<vmem>>
    %dma_wait3A_739 = arith.constant 2000000 : i32
    %dma_wait3A_740 = tpu.memref_slice %arg3[%dma_wait3A_739] : memref<2600000xf32, #tpu.memory_space<hbm>> -> memref<100000xf32, #tpu.memory_space<hbm>>
    %dma_wait3A_741 = arith.constant 0 : i32
    %dma_wait3A_742 = tpu.memref_slice %dma_wait3A_740[%dma_wait3A_741] : memref<100000xf32, #tpu.memory_space<hbm>> -> memref<100000xf32, #tpu.memory_space<hbm>>
    tpu.wait_indirect_dma semaphore(%arg11 : memref<!tpu.dma_semaphore, #tpu.memory_space<semaphore_mem>>) src(%dma_wait3A_742 : memref<100000xf32, #tpu.memory_space<hbm>>) dst(%dma_wait3A_736 : memref<512xf32, #tpu.memory_space<vmem>>)
    %dma_wait3A_743 = arith.constant 10752 : i32
    %dma_wait3A_744 = tpu.memref_slice %arg7[%dma_wait3A_743] : memref<13312xf32, #tpu.memory_space<vmem>> -> memref<512xf32, #tpu.memory_space<vmem>>
    %dma_wait3A_745 = arith.constant 10752 : i32
    %dma_wait3A_746 = tpu.memref_slice %arg6[%dma_wait3A_745] : memref<13312xi32, #tpu.memory_space<vmem>> -> memref<512xi32, #tpu.memory_space<vmem>>
    %dma_wait3A_747 = arith.constant 2100000 : i32
    %dma_wait3A_748 = tpu.memref_slice %arg3[%dma_wait3A_747] : memref<2600000xf32, #tpu.memory_space<hbm>> -> memref<100000xf32, #tpu.memory_space<hbm>>
    %dma_wait3A_749 = arith.constant 0 : i32
    %dma_wait3A_750 = tpu.memref_slice %dma_wait3A_748[%dma_wait3A_749] : memref<100000xf32, #tpu.memory_space<hbm>> -> memref<100000xf32, #tpu.memory_space<hbm>>
    tpu.wait_indirect_dma semaphore(%arg11 : memref<!tpu.dma_semaphore, #tpu.memory_space<semaphore_mem>>) src(%dma_wait3A_750 : memref<100000xf32, #tpu.memory_space<hbm>>) dst(%dma_wait3A_744 : memref<512xf32, #tpu.memory_space<vmem>>)
    %dma_wait3A_751 = arith.constant 11264 : i32
    %dma_wait3A_752 = tpu.memref_slice %arg7[%dma_wait3A_751] : memref<13312xf32, #tpu.memory_space<vmem>> -> memref<512xf32, #tpu.memory_space<vmem>>
    %dma_wait3A_753 = arith.constant 11264 : i32
    %dma_wait3A_754 = tpu.memref_slice %arg6[%dma_wait3A_753] : memref<13312xi32, #tpu.memory_space<vmem>> -> memref<512xi32, #tpu.memory_space<vmem>>
    %dma_wait3A_755 = arith.constant 2200000 : i32
    %dma_wait3A_756 = tpu.memref_slice %arg3[%dma_wait3A_755] : memref<2600000xf32, #tpu.memory_space<hbm>> -> memref<100000xf32, #tpu.memory_space<hbm>>
    %dma_wait3A_757 = arith.constant 0 : i32
    %dma_wait3A_758 = tpu.memref_slice %dma_wait3A_756[%dma_wait3A_757] : memref<100000xf32, #tpu.memory_space<hbm>> -> memref<100000xf32, #tpu.memory_space<hbm>>
    tpu.wait_indirect_dma semaphore(%arg11 : memref<!tpu.dma_semaphore, #tpu.memory_space<semaphore_mem>>) src(%dma_wait3A_758 : memref<100000xf32, #tpu.memory_space<hbm>>) dst(%dma_wait3A_752 : memref<512xf32, #tpu.memory_space<vmem>>)
    %dma_wait3A_759 = arith.constant 11776 : i32
    %dma_wait3A_760 = tpu.memref_slice %arg7[%dma_wait3A_759] : memref<13312xf32, #tpu.memory_space<vmem>> -> memref<512xf32, #tpu.memory_space<vmem>>
    %dma_wait3A_761 = arith.constant 11776 : i32
    %dma_wait3A_762 = tpu.memref_slice %arg6[%dma_wait3A_761] : memref<13312xi32, #tpu.memory_space<vmem>> -> memref<512xi32, #tpu.memory_space<vmem>>
    %dma_wait3A_763 = arith.constant 2300000 : i32
    %dma_wait3A_764 = tpu.memref_slice %arg3[%dma_wait3A_763] : memref<2600000xf32, #tpu.memory_space<hbm>> -> memref<100000xf32, #tpu.memory_space<hbm>>
    %dma_wait3A_765 = arith.constant 0 : i32
    %dma_wait3A_766 = tpu.memref_slice %dma_wait3A_764[%dma_wait3A_765] : memref<100000xf32, #tpu.memory_space<hbm>> -> memref<100000xf32, #tpu.memory_space<hbm>>
    tpu.wait_indirect_dma semaphore(%arg11 : memref<!tpu.dma_semaphore, #tpu.memory_space<semaphore_mem>>) src(%dma_wait3A_766 : memref<100000xf32, #tpu.memory_space<hbm>>) dst(%dma_wait3A_760 : memref<512xf32, #tpu.memory_space<vmem>>)
    %dma_wait3A_767 = arith.constant 12288 : i32
    %dma_wait3A_768 = tpu.memref_slice %arg7[%dma_wait3A_767] : memref<13312xf32, #tpu.memory_space<vmem>> -> memref<512xf32, #tpu.memory_space<vmem>>
    %dma_wait3A_769 = arith.constant 12288 : i32
    %dma_wait3A_770 = tpu.memref_slice %arg6[%dma_wait3A_769] : memref<13312xi32, #tpu.memory_space<vmem>> -> memref<512xi32, #tpu.memory_space<vmem>>
    %dma_wait3A_771 = arith.constant 2400000 : i32
    %dma_wait3A_772 = tpu.memref_slice %arg3[%dma_wait3A_771] : memref<2600000xf32, #tpu.memory_space<hbm>> -> memref<100000xf32, #tpu.memory_space<hbm>>
    %dma_wait3A_773 = arith.constant 0 : i32
    %dma_wait3A_774 = tpu.memref_slice %dma_wait3A_772[%dma_wait3A_773] : memref<100000xf32, #tpu.memory_space<hbm>> -> memref<100000xf32, #tpu.memory_space<hbm>>
    tpu.wait_indirect_dma semaphore(%arg11 : memref<!tpu.dma_semaphore, #tpu.memory_space<semaphore_mem>>) src(%dma_wait3A_774 : memref<100000xf32, #tpu.memory_space<hbm>>) dst(%dma_wait3A_768 : memref<512xf32, #tpu.memory_space<vmem>>)
    %dma_wait3A_775 = arith.constant 12800 : i32
    %dma_wait3A_776 = tpu.memref_slice %arg7[%dma_wait3A_775] : memref<13312xf32, #tpu.memory_space<vmem>> -> memref<512xf32, #tpu.memory_space<vmem>>
    %dma_wait3A_777 = arith.constant 12800 : i32
    %dma_wait3A_778 = tpu.memref_slice %arg6[%dma_wait3A_777] : memref<13312xi32, #tpu.memory_space<vmem>> -> memref<512xi32, #tpu.memory_space<vmem>>
    %dma_wait3A_779 = arith.constant 2500000 : i32
    %dma_wait3A_780 = tpu.memref_slice %arg3[%dma_wait3A_779] : memref<2600000xf32, #tpu.memory_space<hbm>> -> memref<100000xf32, #tpu.memory_space<hbm>>
    %dma_wait3A_781 = arith.constant 0 : i32
    %dma_wait3A_782 = tpu.memref_slice %dma_wait3A_780[%dma_wait3A_781] : memref<100000xf32, #tpu.memory_space<hbm>> -> memref<100000xf32, #tpu.memory_space<hbm>>
    tpu.wait_indirect_dma semaphore(%arg11 : memref<!tpu.dma_semaphore, #tpu.memory_space<semaphore_mem>>) src(%dma_wait3A_782 : memref<100000xf32, #tpu.memory_space<hbm>>) dst(%dma_wait3A_776 : memref<512xf32, #tpu.memory_space<vmem>>)
    %scan3A = arith.constant 0 : i32
    %scan3A_783 = arith.constant 0 : i32
    %scan3A_784 = arith.constant 32 : i32
    %scan3A_785 = arith.addi %scan3A_783, %scan3A_784 : i32
    %scan3A_786 = arith.constant 1 : i32
    scf.for %scan3A_788 = %scan3A_783 to %scan3A_785 step %scan3A_786  : i32 {
      %mul3A_789 = arith.constant 16 : i32
      %mul3A_790 = arith.muli %scan3A_788, %mul3A_789 : i32
      %add3A_791 = arith.constant 0 : i32
      %add3A_792 = arith.addi %add3A_791, %mul3A_790 : i32
      %get3A_793 = arith.index_cast %add3A_792 : i32 to index
      %get3A_794 = tpu.vector_load %arg7[%get3A_793] {strides = array<i32>} : memref<13312xf32, #tpu.memory_space<vmem>>, vector<16xf32>,
      %get3A_795 = vector.shape_cast %get3A_794 : vector<16xf32> to vector<16xf32>
      %add3A_796 = arith.addf %get3A_211, %get3A_795 : vector<16xf32>
      %add3A_797 = arith.constant 512 : i32
      %add3A_798 = arith.addi %add3A_797, %mul3A_790 : i32
      %get3A_799 = arith.index_cast %add3A_798 : i32 to index
      %get3A_800 = tpu.vector_load %arg7[%get3A_799] {strides = array<i32>} : memref<13312xf32, #tpu.memory_space<vmem>>, vector<16xf32>,
      %get3A_801 = vector.shape_cast %get3A_800 : vector<16xf32> to vector<16xf32>
      %add3A_802 = arith.addf %add3A_796, %get3A_801 : vector<16xf32>
      %add3A_803 = arith.constant 1024 : i32
      %add3A_804 = arith.addi %add3A_803, %mul3A_790 : i32
      %get3A_805 = arith.index_cast %add3A_804 : i32 to index
      %get3A_806 = tpu.vector_load %arg7[%get3A_805] {strides = array<i32>} : memref<13312xf32, #tpu.memory_space<vmem>>, vector<16xf32>,
      %get3A_807 = vector.shape_cast %get3A_806 : vector<16xf32> to vector<16xf32>
      %add3A_808 = arith.addf %add3A_802, %get3A_807 : vector<16xf32>
      %add3A_809 = arith.constant 1536 : i32
      %add3A_810 = arith.addi %add3A_809, %mul3A_790 : i32
      %get3A_811 = arith.index_cast %add3A_810 : i32 to index
      %get3A_812 = tpu.vector_load %arg7[%get3A_811] {strides = array<i32>} : memref<13312xf32, #tpu.memory_space<vmem>>, vector<16xf32>,
      %get3A_813 = vector.shape_cast %get3A_812 : vector<16xf32> to vector<16xf32>
      %add3A_814 = arith.addf %add3A_808, %get3A_813 : vector<16xf32>
      %add3A_815 = arith.constant 2048 : i32
      %add3A_816 = arith.addi %add3A_815, %mul3A_790 : i32
      %get3A_817 = arith.index_cast %add3A_816 : i32 to index
      %get3A_818 = tpu.vector_load %arg7[%get3A_817] {strides = array<i32>} : memref<13312xf32, #tpu.memory_space<vmem>>, vector<16xf32>,
      %get3A_819 = vector.shape_cast %get3A_818 : vector<16xf32> to vector<16xf32>
      %add3A_820 = arith.addf %add3A_814, %get3A_819 : vector<16xf32>
      %add3A_821 = arith.constant 2560 : i32
      %add3A_822 = arith.addi %add3A_821, %mul3A_790 : i32
      %get3A_823 = arith.index_cast %add3A_822 : i32 to index
      %get3A_824 = tpu.vector_load %arg7[%get3A_823] {strides = array<i32>} : memref<13312xf32, #tpu.memory_space<vmem>>, vector<16xf32>,
      %get3A_825 = vector.shape_cast %get3A_824 : vector<16xf32> to vector<16xf32>
      %add3A_826 = arith.addf %add3A_820, %get3A_825 : vector<16xf32>
      %add3A_827 = arith.constant 3072 : i32
      %add3A_828 = arith.addi %add3A_827, %mul3A_790 : i32
      %get3A_829 = arith.index_cast %add3A_828 : i32 to index
      %get3A_830 = tpu.vector_load %arg7[%get3A_829] {strides = array<i32>} : memref<13312xf32, #tpu.memory_space<vmem>>, vector<16xf32>,
      %get3A_831 = vector.shape_cast %get3A_830 : vector<16xf32> to vector<16xf32>
      %add3A_832 = arith.addf %add3A_826, %get3A_831 : vector<16xf32>
      %add3A_833 = arith.constant 3584 : i32
      %add3A_834 = arith.addi %add3A_833, %mul3A_790 : i32
      %get3A_835 = arith.index_cast %add3A_834 : i32 to index
      %get3A_836 = tpu.vector_load %arg7[%get3A_835] {strides = array<i32>} : memref<13312xf32, #tpu.memory_space<vmem>>, vector<16xf32>,
      %get3A_837 = vector.shape_cast %get3A_836 : vector<16xf32> to vector<16xf32>
      %add3A_838 = arith.addf %add3A_832, %get3A_837 : vector<16xf32>
      %add3A_839 = arith.constant 4096 : i32
      %add3A_840 = arith.addi %add3A_839, %mul3A_790 : i32
      %get3A_841 = arith.index_cast %add3A_840 : i32 to index
      %get3A_842 = tpu.vector_load %arg7[%get3A_841] {strides = array<i32>} : memref<13312xf32, #tpu.memory_space<vmem>>, vector<16xf32>,
      %get3A_843 = vector.shape_cast %get3A_842 : vector<16xf32> to vector<16xf32>
      %add3A_844 = arith.addf %add3A_838, %get3A_843 : vector<16xf32>
      %add3A_845 = arith.constant 4608 : i32
      %add3A_846 = arith.addi %add3A_845, %mul3A_790 : i32
      %get3A_847 = arith.index_cast %add3A_846 : i32 to index
      %get3A_848 = tpu.vector_load %arg7[%get3A_847] {strides = array<i32>} : memref<13312xf32, #tpu.memory_space<vmem>>, vector<16xf32>,
      %get3A_849 = vector.shape_cast %get3A_848 : vector<16xf32> to vector<16xf32>
      %add3A_850 = arith.addf %add3A_844, %get3A_849 : vector<16xf32>
      %add3A_851 = arith.constant 5120 : i32
      %add3A_852 = arith.addi %add3A_851, %mul3A_790 : i32
      %get3A_853 = arith.index_cast %add3A_852 : i32 to index
      %get3A_854 = tpu.vector_load %arg7[%get3A_853] {strides = array<i32>} : memref<13312xf32, #tpu.memory_space<vmem>>, vector<16xf32>,
      %get3A_855 = vector.shape_cast %get3A_854 : vector<16xf32> to vector<16xf32>
      %add3A_856 = arith.addf %add3A_850, %get3A_855 : vector<16xf32>
      %add3A_857 = arith.constant 5632 : i32
      %add3A_858 = arith.addi %add3A_857, %mul3A_790 : i32
      %get3A_859 = arith.index_cast %add3A_858 : i32 to index
      %get3A_860 = tpu.vector_load %arg7[%get3A_859] {strides = array<i32>} : memref<13312xf32, #tpu.memory_space<vmem>>, vector<16xf32>,
      %get3A_861 = vector.shape_cast %get3A_860 : vector<16xf32> to vector<16xf32>
      %add3A_862 = arith.addf %add3A_856, %get3A_861 : vector<16xf32>
      %add3A_863 = arith.constant 6144 : i32
      %add3A_864 = arith.addi %add3A_863, %mul3A_790 : i32
      %get3A_865 = arith.index_cast %add3A_864 : i32 to index
      %get3A_866 = tpu.vector_load %arg7[%get3A_865] {strides = array<i32>} : memref<13312xf32, #tpu.memory_space<vmem>>, vector<16xf32>,
      %get3A_867 = vector.shape_cast %get3A_866 : vector<16xf32> to vector<16xf32>
      %add3A_868 = arith.addf %add3A_862, %get3A_867 : vector<16xf32>
      %add3A_869 = arith.constant 6656 : i32
      %add3A_870 = arith.addi %add3A_869, %mul3A_790 : i32
      %get3A_871 = arith.index_cast %add3A_870 : i32 to index
      %get3A_872 = tpu.vector_load %arg7[%get3A_871] {strides = array<i32>} : memref<13312xf32, #tpu.memory_space<vmem>>, vector<16xf32>,
      %get3A_873 = vector.shape_cast %get3A_872 : vector<16xf32> to vector<16xf32>
      %add3A_874 = arith.addf %add3A_868, %get3A_873 : vector<16xf32>
      %add3A_875 = arith.constant 7168 : i32
      %add3A_876 = arith.addi %add3A_875, %mul3A_790 : i32
      %get3A_877 = arith.index_cast %add3A_876 : i32 to index
      %get3A_878 = tpu.vector_load %arg7[%get3A_877] {strides = array<i32>} : memref<13312xf32, #tpu.memory_space<vmem>>, vector<16xf32>,
      %get3A_879 = vector.shape_cast %get3A_878 : vector<16xf32> to vector<16xf32>
      %add3A_880 = arith.addf %add3A_874, %get3A_879 : vector<16xf32>
      %add3A_881 = arith.constant 7680 : i32
      %add3A_882 = arith.addi %add3A_881, %mul3A_790 : i32
      %get3A_883 = arith.index_cast %add3A_882 : i32 to index
      %get3A_884 = tpu.vector_load %arg7[%get3A_883] {strides = array<i32>} : memref<13312xf32, #tpu.memory_space<vmem>>, vector<16xf32>,
      %get3A_885 = vector.shape_cast %get3A_884 : vector<16xf32> to vector<16xf32>
      %add3A_886 = arith.addf %add3A_880, %get3A_885 : vector<16xf32>
      %add3A_887 = arith.constant 8192 : i32
      %add3A_888 = arith.addi %add3A_887, %mul3A_790 : i32
      %get3A_889 = arith.index_cast %add3A_888 : i32 to index
      %get3A_890 = tpu.vector_load %arg7[%get3A_889] {strides = array<i32>} : memref<13312xf32, #tpu.memory_space<vmem>>, vector<16xf32>,
      %get3A_891 = vector.shape_cast %get3A_890 : vector<16xf32> to vector<16xf32>
      %add3A_892 = arith.addf %add3A_886, %get3A_891 : vector<16xf32>
      %add3A_893 = arith.constant 8704 : i32
      %add3A_894 = arith.addi %add3A_893, %mul3A_790 : i32
      %get3A_895 = arith.index_cast %add3A_894 : i32 to index
      %get3A_896 = tpu.vector_load %arg7[%get3A_895] {strides = array<i32>} : memref<13312xf32, #tpu.memory_space<vmem>>, vector<16xf32>,
      %get3A_897 = vector.shape_cast %get3A_896 : vector<16xf32> to vector<16xf32>
      %add3A_898 = arith.addf %add3A_892, %get3A_897 : vector<16xf32>
      %add3A_899 = arith.constant 9216 : i32
      %add3A_900 = arith.addi %add3A_899, %mul3A_790 : i32
      %get3A_901 = arith.index_cast %add3A_900 : i32 to index
      %get3A_902 = tpu.vector_load %arg7[%get3A_901] {strides = array<i32>} : memref<13312xf32, #tpu.memory_space<vmem>>, vector<16xf32>,
      %get3A_903 = vector.shape_cast %get3A_902 : vector<16xf32> to vector<16xf32>
      %add3A_904 = arith.addf %add3A_898, %get3A_903 : vector<16xf32>
      %add3A_905 = arith.constant 9728 : i32
      %add3A_906 = arith.addi %add3A_905, %mul3A_790 : i32
      %get3A_907 = arith.index_cast %add3A_906 : i32 to index
      %get3A_908 = tpu.vector_load %arg7[%get3A_907] {strides = array<i32>} : memref<13312xf32, #tpu.memory_space<vmem>>, vector<16xf32>,
      %get3A_909 = vector.shape_cast %get3A_908 : vector<16xf32> to vector<16xf32>
      %add3A_910 = arith.addf %add3A_904, %get3A_909 : vector<16xf32>
      %add3A_911 = arith.constant 10240 : i32
      %add3A_912 = arith.addi %add3A_911, %mul3A_790 : i32
      %get3A_913 = arith.index_cast %add3A_912 : i32 to index
      %get3A_914 = tpu.vector_load %arg7[%get3A_913] {strides = array<i32>} : memref<13312xf32, #tpu.memory_space<vmem>>, vector<16xf32>,
      %get3A_915 = vector.shape_cast %get3A_914 : vector<16xf32> to vector<16xf32>
      %add3A_916 = arith.addf %add3A_910, %get3A_915 : vector<16xf32>
      %add3A_917 = arith.constant 10752 : i32
      %add3A_918 = arith.addi %add3A_917, %mul3A_790 : i32
      %get3A_919 = arith.index_cast %add3A_918 : i32 to index
      %get3A_920 = tpu.vector_load %arg7[%get3A_919] {strides = array<i32>} : memref<13312xf32, #tpu.memory_space<vmem>>, vector<16xf32>,
      %get3A_921 = vector.shape_cast %get3A_920 : vector<16xf32> to vector<16xf32>
      %add3A_922 = arith.addf %add3A_916, %get3A_921 : vector<16xf32>
      %add3A_923 = arith.constant 11264 : i32
      %add3A_924 = arith.addi %add3A_923, %mul3A_790 : i32
      %get3A_925 = arith.index_cast %add3A_924 : i32 to index
      %get3A_926 = tpu.vector_load %arg7[%get3A_925] {strides = array<i32>} : memref<13312xf32, #tpu.memory_space<vmem>>, vector<16xf32>,
      %get3A_927 = vector.shape_cast %get3A_926 : vector<16xf32> to vector<16xf32>
      %add3A_928 = arith.addf %add3A_922, %get3A_927 : vector<16xf32>
      %add3A_929 = arith.constant 11776 : i32
      %add3A_930 = arith.addi %add3A_929, %mul3A_790 : i32
      %get3A_931 = arith.index_cast %add3A_930 : i32 to index
      %get3A_932 = tpu.vector_load %arg7[%get3A_931] {strides = array<i32>} : memref<13312xf32, #tpu.memory_space<vmem>>, vector<16xf32>,
      %get3A_933 = vector.shape_cast %get3A_932 : vector<16xf32> to vector<16xf32>
      %add3A_934 = arith.addf %add3A_928, %get3A_933 : vector<16xf32>
      %add3A_935 = arith.constant 12288 : i32
      %add3A_936 = arith.addi %add3A_935, %mul3A_790 : i32
      %get3A_937 = arith.index_cast %add3A_936 : i32 to index
      %get3A_938 = tpu.vector_load %arg7[%get3A_937] {strides = array<i32>} : memref<13312xf32, #tpu.memory_space<vmem>>, vector<16xf32>,
      %get3A_939 = vector.shape_cast %get3A_938 : vector<16xf32> to vector<16xf32>
      %add3A_940 = arith.addf %add3A_934, %get3A_939 : vector<16xf32>
      %add3A_941 = arith.constant 12800 : i32
      %add3A_942 = arith.addi %add3A_941, %mul3A_790 : i32
      %get3A_943 = arith.index_cast %add3A_942 : i32 to index
      %get3A_944 = tpu.vector_load %arg7[%get3A_943] {strides = array<i32>} : memref<13312xf32, #tpu.memory_space<vmem>>, vector<16xf32>,
      %get3A_945 = vector.shape_cast %get3A_944 : vector<16xf32> to vector<16xf32>
      %add3A_946 = arith.addf %add3A_940, %get3A_945 : vector<16xf32>
      %swap3A = arith.index_cast %mul3A_790 : i32 to index
      %swap3A_947 = tpu.vector_load %arg9[%swap3A] {strides = array<i32>} : memref<512xf32, #tpu.memory_space<vmem>>, vector<16xf32>,
      %swap3A_948 = vector.shape_cast %swap3A_947 : vector<16xf32> to vector<16xf32>
      %swap3A_949 = vector.shape_cast %add3A_946 : vector<16xf32> to vector<16xf32>
      tpu.vector_store %arg9[%swap3A], %swap3A_949 {strides = array<i32>} : memref<512xf32, #tpu.memory_space<vmem>>, vector<16xf32>,
    }
    %scan3A_787 = arith.constant 32 : i32
    "tpu.region"() ({
      %run_scoped3A = tpu.sem_alloc : memref<!tpu.dma_semaphore, #tpu.memory_space<semaphore_mem>>
      %dma_start3A_788 = tpu.memref_slice %arg5[%mul3A_2] : memref<16384xf32, #tpu.memory_space<hbm>> -> memref<512xf32, #tpu.memory_space<hbm>>
      %dma_start3A_789 = tpu.memref_slice %arg5[%mul3A_2] : memref<16384xf32, #tpu.memory_space<hbm>> -> memref<512xf32, #tpu.memory_space<hbm>>
      tpu.enqueue_dma source(%arg9 : memref<512xf32, #tpu.memory_space<vmem>>) target(%dma_start3A_789 : memref<512xf32, #tpu.memory_space<hbm>>) target_semaphore(%run_scoped3A : memref<!tpu.dma_semaphore, #tpu.memory_space<semaphore_mem>>)
      %dma_wait3A_790 = tpu.memref_slice %arg5[%mul3A_2] : memref<16384xf32, #tpu.memory_space<hbm>> -> memref<512xf32, #tpu.memory_space<hbm>>
      %dma_wait3A_791 = tpu.memref_slice %arg5[%mul3A_2] : memref<16384xf32, #tpu.memory_space<hbm>> -> memref<512xf32, #tpu.memory_space<hbm>>
      tpu.wait_dma2 semaphore(%run_scoped3A : memref<!tpu.dma_semaphore, #tpu.memory_space<semaphore_mem>>) src(%arg9 : memref<512xf32, #tpu.memory_space<vmem>>) dst(%dma_wait3A_791 : memref<512xf32, #tpu.memory_space<hbm>>)
      tpu.yield
    }) : () -> ()
    return
  }
}

</mosaic_0001>

<sc_bundles>
// kernel: kernel.3.cloned.1.call-start
scs
__scs_entry_jumppad:
0x0: {  	(pc) =	sbr.rel $0x88, $3  }
0x1: {  	(tag) =	ssettag $0x0;
	lr =	simm.s32 $0x1  }
0x2: {  	[smem:$0x3F9E] =	sst lr;
	_ =	strace $0xD0000000  }
0x3: {  	_ = 	snop  }
0x4: {  	_ = 	snop  }
0x5: {  	_ = 	snop  }
0x6: {  	_ = 	snop  }
0x7: {  	_ = 	snop  }
__scs_overlays_trampoline_lowered:
0x8: {  	[smem:$0x3FAD] =	sst s0  }
0x9: {  	[smem:$0x3FAE] =	sst s1  }
0xa: {  	[smem:$0x3FAF] =	sst s2  }
0xb: {  	[smem:$0x3FB0] =	sst s3  }
0xc: {  	[smem:$0x3FB1] =	sst s4  }
0xd: {  	[smem:$0x3FB2] =	sst s5  }
0xe: {  	[smem:$0x3FB3] =	sst s6  }
0xf: {  	[smem:$0x3FB4] =	sst s7  }
0x10: {  	[smem:$0x3FB5] =	sst s8  }
0x11: {  	[smem:$0x3FB6] =	sst s9;
	s0 =	simm.s32 @!p0 $0x0  }
0x12: {  	s1 =	sld [smem:$0x3F9C];
	s0 =	simm.s32 @p0 $0x1  }
0x13: {  	[smem:$0x3FB7] =	sst s0;
	s0 =	simm.s32 @!p1 $0x0  }
0x14: {  	s2 =	sld [smem:$0x3F9B];
	s0 =	simm.s32 @p1 $0x1  }
0x15: {  	[smem:$0x3FB8] =	sst s0;
	s0 =	simm.s32 @!p2 $0x0  }
0x16: {  	s3 =	sld [smem:$0x3FDB];
	s0 =	simm.s32 @p2 $0x1  }
0x17: {  	s4 =	simm.s32 $0x1BF5;
	[smem:$0x3FBA] =	sst s0  }
0x18: {  	s0 =	sld [smem:$0x3F9D];
	_ =	swait.ge [sflag:s4], $0x0  }
0x19: {  	s7 =	sld [smem:$0x3F9E]  }
0x1a: {  	s8 =	sadd.s32 $0xFFFFE003, lr  }
0x1b: {  	s9 =	sadd.s32 $0xFFFFFEF7, lr;
	s5 =	simm.s32 $0xFFFFFFFF;
	p2 =	slt.u32 s8, $0xFFFFF086  }
0x1c: {  	p1 =	slt.u32 s9, $0xF7A;
	s5 =	simm.s32 @!p2 $0x0  }
0x1d: {  	s5 =	simm.s32 @p1 $0x1;
	p0 =	seq.s32 s7, s2  }
0x1e: {  	s7 =	smul.u32 @!p0 $0xF7A, s2;
	p2 =	seq.s32 @!p0 s5, $0x0  }
0x1f: {  	s9 =	smul.u32 $0xF7A, s1;
	s8 =	simm.s32 @!p0 $0x1BF5;
	p2 =	por !p2, p0  }
0x20: {  	[sflag:s8] =	ssyncset.s32 @!p0 $0xFFFFF086;
	s6 =	sadd.s32 @!p0 s3, s7;
	s7 =	simm.s32 @!p0 $0x108  }
0x21: {  	s3 =	sadd.s32 s3, s9;
	s6 =	sadd.s32 @!p0 $0x88, s6;
	s7 =	simm.s32 @p2 $0x1082  }
0x22: {  	[simem:s7], [sflag:s8] =	dma.local @!p0 [hbm:s6], $0xF7A  }
0x23: {  	s9 =	sor.u32 $0xD0000000, s2;
	s6 =	simm.s32 $0x108;
	_ =	swait.ge @!p0 [sflag:s8], $0x0  }
0x24: {  	s3 =	sadd.s32 $0x88, s3;
	s6 =	simm.s32 @!p1 $0x1082;
	[sflag:s4] =	ssyncset.s32 $0xFFFFF086  }
0x25: {  	[simem:s6], [sflag:s4] =	dma.local [hbm:s3], $0xF7A  }
0x26: {  	[smem:$0x3F9E] =	sst s1;
	(tag) =	ssettag s2;
	_ =	strace s9  }
0x27: {  	s1 =	sld [smem:$0x3FAE]  }
0x28: {  	s2 =	sld [smem:$0x3FAF]  }
0x29: {  	s4 =	sld [smem:$0x3FB1]  }
0x2a: {  	p0 =	seq.s32 s5, $0x0;
	s5 =	sld [smem:$0x3FB2]  }
0x2b: {  	s6 =	sld [smem:$0x3FB3]  }
0x2c: {  	s7 =	sld [smem:$0x3FB4]  }
0x2d: {  	s3 =	simm.s32 $0x108;
	s8 =	sld [smem:$0x3FB5]  }
0x2e: {  	s3 =	simm.s32 @!p0 $0x1082;
	s9 =	sld [smem:$0x3FB6]  }
0x2f: {  	lr =	sadd.s32 s0, s3;
	s0 =	sld [smem:$0x3FAD]  }
0x30: {  	s3 =	sld [smem:$0x3FB0]  }
0x31: {  	[smem:$0x3FB9] =	sst s10  }
0x32: {  	s10 =	sld [smem:$0x3FB7];
	_ =	sdelay $0x3  }
0x33: {  	p0 =	seq.s32 s10, $0x1;
	s10 =	sld [smem:$0x3FB9];
	_ =	sdelay $0x3  }
0x34: {  	[smem:$0x3FB9] =	sst s10  }
0x35: {  	s10 =	sld [smem:$0x3FB8];
	_ =	sdelay $0x3  }
0x36: {  	p1 =	seq.s32 s10, $0x1;
	s10 =	sld [smem:$0x3FB9];
	_ =	sdelay $0x3  }
0x37: {  	[smem:$0x3FB9] =	sst s10  }
0x38: {  	s10 =	sld [smem:$0x3FBA]  }
0x39: {  	_ = 	snop;
	(pc) =	sbr.ind lr, $3  }
0x3a: {  	_ = 	snop  }
0x3b: {  	_ = 	snop  }
0x3c: {  	p2 =	seq.s32 s10, $0x1;
	s10 =	sld [smem:$0x3FB9]  }
0x3d: {  	_ =	shalt  }
0x3e: {  	_ =	shalt  }
0x3f: {  	_ =	shalt  }
0x40: {  	_ =	shalt  }
0x41: {  	_ =	shalt  }
0x42: {  	_ =	shalt  }
0x43: {  	_ =	shalt  }
0x44: {  	_ =	shalt  }
0x45: {  	_ =	shalt  }
0x46: {  	_ =	shalt  }
0x47: {  	_ =	shalt  }
0x48: {  	_ =	shalt  }
0x49: {  	_ =	shalt  }
0x4a: {  	_ =	shalt  }
0x4b: {  	_ =	shalt  }
0x4c: {  	_ =	shalt  }
0x4d: {  	_ =	shalt  }
0x4e: {  	_ =	shalt  }
0x4f: {  	_ =	shalt  }
0x50: {  	_ =	shalt  }
0x51: {  	_ =	shalt  }
0x52: {  	_ =	shalt  }
0x53: {  	_ =	shalt  }
0x54: {  	_ =	shalt  }
0x55: {  	_ =	shalt  }
0x56: {  	_ =	shalt  }
0x57: {  	_ =	shalt  }
0x58: {  	_ =	shalt  }
0x59: {  	_ =	shalt  }
0x5a: {  	_ =	shalt  }
0x5b: {  	_ =	shalt  }
0x5c: {  	_ =	shalt  }
0x5d: {  	_ =	shalt  }
0x5e: {  	_ =	shalt  }
0x5f: {  	_ =	shalt  }
0x60: {  	_ =	shalt  }
0x61: {  	_ =	shalt  }
0x62: {  	_ =	shalt  }
0x63: {  	_ =	shalt  }
0x64: {  	_ =	shalt  }
0x65: {  	_ =	shalt  }
0x66: {  	_ =	shalt  }
0x67: {  	_ =	shalt  }
0x68: {  	_ =	shalt  }
0x69: {  	_ =	shalt  }
0x6a: {  	_ =	shalt  }
0x6b: {  	_ =	shalt  }
0x6c: {  	_ =	shalt  }
0x6d: {  	_ =	shalt  }
0x6e: {  	_ =	shalt  }
0x6f: {  	_ =	shalt  }
0x70: {  	_ =	shalt  }
0x71: {  	_ =	shalt  }
0x72: {  	_ =	shalt  }
0x73: {  	_ =	shalt  }
0x74: {  	_ =	shalt  }
0x75: {  	_ =	shalt  }
0x76: {  	_ =	shalt  }
0x77: {  	_ =	shalt  }
0x78: {  	_ =	shalt  }
0x79: {  	_ =	shalt  }
0x7a: {  	_ =	shalt  }
0x7b: {  	_ =	shalt  }
0x7c: {  	_ =	shalt  }
0x7d: {  	_ =	shalt  }
0x7e: {  	_ =	shalt  }
0x7f: {  	_ =	shalt  }
0x80: {  	_ =	shalt  }
0x81: {  	_ =	shalt  }
0x82: {  	_ =	shalt  }
0x83: {  	_ =	shalt  }
0x84: {  	_ =	shalt  }
0x85: {  	_ =	shalt  }
0x86: {  	_ =	shalt  }
0x87: {  	_ =	shalt  }
.Lfunc_end0:
.L_simem_size_0:
called_computation_lowered:
.L_overlay_start_0:
0x88: {  	s2 =	sld [smem:$0x3FD9]  }
0x89: {  	s3 =	sld [smem:$0x3FFE];
	_ =	sdelay $0x1  }
0x8a: {  	s1 =	srdreg.scid  }
0x8b: {  	s0 =	sand.u32 $0x1, s1  }
0x8c: {  	s17 =	sshll.u32 s0, $0xA;
	s2 =	sadd.s32 s3, s2  }
0x8d: {  	s2 =	sadd.s32 s2, s17  }
0x8e: {  	[smem:$0x3FC5] =	sst s2  }
0x8f: {  	_ = 	snop  }
0x90: {  	s2 =	sld [smem:$0x3FD0];
	(tm) =	ssettm $0x1  }
0x91: {  	s18 =	sld [smem:$0x3FFB];
	_ =	sdelay $0x3  }
0x92: {  	_ =	strace s18  }
0x93: {  	s3 =	sld [smem:$0x3FFC];
	_ =	sdelay $0x3  }
0x94: {  	_ =	strace s3  }
0x95: {  	s3 =	sld [smem:$0x3FFD];
	_ =	sdelay $0x3  }
0x96: {  	_ =	strace s3  }
0x97: {  	_ =	strace $0x8FFFFFFF  }
0x98: {  	s19 =	sld [smem:$0x3FDB];
	_ =	sdelay $0x1  }
0x99: {  	s4 =	simm.s32 $_scs_section_size  }
0x9a: {  	s5 =	simm.s32 $_size__tile_overlayer_lowered;
	s6 =	simm.s32 $_tile_overlayer_lowered  }
0x9b: {  	s22 =	simm.s32 $0x1BFF;
	s21 =	sshll.u32 s6, $0x1;
	s3 =	sadd.s32 s4, s19  }
0x9c: {  	s7 =	simm.s32 $0x0;
	s20 =	sshll.u32 s5, $0x1;
	s5 =	sadd.s32 s21, s3  }
0x9d: {  	[timem:s7], [sflag:s22] =	dma.local [hbm:s5], s20  }
0x9e: {  	_ =	swait.ge [sflag:s22], s20  }
0x9f: {  	s4 =	ssub.s32 $0x0, s20;
	[sflag:s22] =	ssyncset.done $0x0  }
0xa0: {  	[sflag:s22] =	ssyncadd.s32 s4;
	_ =	sdelay $0x1  }
0xa1: {  	s23 =	simm.s32 $0x1B8B  }
0xa2: {  	_ =	swait.ge [sflag:s23], $0x1  }
0xa3: {  	[sflag:s23] =	ssyncset.done $0x0  }
0xa4: {  	s25 =	simm.s32 $0x1B8E;
	s24 =	sld [smem:$0x3FFE];
	[sflag:s23] =	ssyncadd.s32 $0xFFFFFFFF  }
0xa5: {  	s26 =	simm.s32 $execute0_lowered;
	[smem:$0x3FD2] =	sst s25  }
0xa6: {  	s5 =	sshll.u32 s26, $0x1;
	_ =	strace $0x80000046;
	[dreg:$0x1] =	wrdreg $0xFFFFFFFF  }
0xa7: {  	s28 =	simm.s32 $_size_execute0_lowered;
	s3 =	sadd.s32 s3, s5;
	[dreg:$0x0] =	wrdreg $0x0  }
0xa8: {  	s5 =	sshll.u32 s28, $0x1;
	[dreg:$0x2] =	wrdreg s3  }
0xa9: {  	[dreg:$0x3] =	wrdreg s5  }
0xaa: {  	[dreg:$0x4] =	wrdreg $0xC0  }
0xab: {  	_ =	task [dreg:s7], $0x5FFFF  }
0xac: {  	[dreg:$0x1] =	wrdreg $0xFFFFFFFF  }
0xad: {  	[dreg:$0x0] =	wrdreg $0x60  }
0xae: {  	[dreg:$0x2] =	wrdreg s24  }
0xaf: {  	[dreg:$0x3] =	wrdreg s2  }
0xb0: {  	[dreg:$0x4] =	wrdreg $0x9  }
0xb1: {  	_ =	task.clear_ibuf [dreg:s7], $0x5FFFF;
	_ =	strace $0x90000046  }
0xb2: {  	s29 =	simm.s32 $0x9;
	_ =	strace $0x80000048  }
0xb3: {  	_ =	swait.ge [sflag:s29], $0x1  }
0xb4: {  	[sflag:s29] =	ssyncadd.s32 $0xFFFFFFFF  }
0xb5: {  	_ =	strace $0x90000048  }
0xb6: {  	_ =	sfence  }
0xb7: {  	s30 =	sld [smem:$0x0];
	_ =	sdelay $0x2  }
0xb8: {  	s31 =	sshll.u32 s1, $0xD;
	s1 =	sshrl.u32 s1, $0x2  }
0xb9: {  	s3 =	sand.u32 $0x4000, s31;
	s1 =	sadd.s32 s1, s30  }
0xba: {  	s0 =	sor.u32 s3, s0;
	s1 =	sshll.u32 s1, $0x11  }
0xbb: {  	s0 =	sor.u32 s1, s0  }
0xbc: {  	s0 =	sadd.s32 $0x8F2B, s0  }
0xbd: {  	[sflag:s0] =	ssyncadd.remote.s32 $0x1  }
0xbe: {  	_ =	sfence.sel $0xFFFF  }
0xbf: {  	[dreg:$0x0] =	wrdreg $0xFFFFFFFF;
	(pc) =	sbr.abs _section_cstart, $3  }
0xc0: {  	[dreg:$0x1] =	wrdreg $0xFFFFFFFF  }
0xc1: {  	_ =	task.clear_ibuf [dreg:s7], $0x2FFFF;
	_ =	strace $0x9FFFFFFF  }
0xc2: {  	(tm) =	ssettm $0x7FFFFFFF  }
0xc3: {  	_ =	shalt  }
tec
execute0_lowered:
.L_overlay_start_1:
0x0: {  	(tag) =	ssettag $0x1  }
0x1: {  	s0 =	rddreg [dreg:$0x0]  }
0x2: {  	s1 =	rddreg [dreg:$0x1];
	s2 =	simm.s32 $0x0  }
0x3: {  	[smem:$0x7FF] =	sst s2;
	s6 =	sadd.s32 $0xD000, s0  }
0x4: {  	s23 =	sadd.s32 $0x5C600, s0;
	_ =	strace $0x80000047;
	[dreg:$0x3] =	wrdreg s6  }
0x5: {  	s24 =	sadd.s32 $0x100D4, s0;
	[dreg:$0x4] =	wrdreg s23  }
0x6: {  	s25 =	sadd.s32 $0x131A8, s0;
	[dreg:$0x5] =	wrdreg s24  }
0x7: {  	s26 =	sadd.s32 $0x1627C, s0;
	[dreg:$0x6] =	wrdreg s25  }
0x8: {  	s28 =	sadd.s32 $0x19350, s0;
	[dreg:$0x7] =	wrdreg s26  }
0x9: {  	s7 =	sadd.s32 $0x1C424, s0;
	[dreg:$0x8] =	wrdreg s28  }
0xa: {  	s8 =	sadd.s32 $0x1F4F8, s0;
	[dreg:$0x9] =	wrdreg s7  }
0xb: {  	s9 =	sadd.s32 $0x225CC, s0;
	[dreg:$0xa] =	wrdreg s8  }
0xc: {  	s10 =	sadd.s32 $0x256A0, s0;
	[dreg:$0xb] =	wrdreg s9  }
0xd: {  	s11 =	sadd.s32 $0x28774, s0;
	[dreg:$0xc] =	wrdreg s10  }
0xe: {  	s12 =	sadd.s32 $0x2B848, s0;
	[dreg:$0xd] =	wrdreg s11  }
0xf: {  	s13 =	sadd.s32 $0x2E91C, s0;
	[dreg:$0xe] =	wrdreg s12  }
0x10: {  	s14 =	sadd.s32 $0x319F0, s0;
	[dreg:$0xf] =	wrdreg s13  }
0x11: {  	s15 =	sadd.s32 $0x34AC4, s0;
	[dreg:$0x10] =	wrdreg s14  }
0x12: {  	s16 =	sadd.s32 $0x37B98, s0;
	[dreg:$0x11] =	wrdreg s15  }
0x13: {  	s17 =	sadd.s32 $0x3AC6C, s0;
	[dreg:$0x12] =	wrdreg s16  }
0x14: {  	s18 =	sadd.s32 $0x3DD40, s0;
	[dreg:$0x13] =	wrdreg s17  }
0x15: {  	s3 =	srdreg.scid;
	s19 =	sadd.s32 $0x40E14, s0;
	[dreg:$0x14] =	wrdreg s18  }
0x16: {  	s5 =	stileid.u32;
	s20 =	sadd.s32 $0x43EE8, s0;
	[dreg:$0x16] =	wrdreg s19  }
0x17: {  	s3 =	sand.u32 $0x1, s3;
	s21 =	sadd.s32 $0x46FBC, s0;
	[dreg:$0x17] =	wrdreg s20  }
0x18: {  	s5 =	sshll.u32 s5, $0x7;
	[dreg:$0x18] =	wrdreg s21;
	s23 =	sadd.s32 $0x4D164, s0  }
0x19: {  	s4 =	ssub.s32 $0x2, s3;
	s24 =	sadd.s32 $0x50238, s0;
	[dreg:$0x1a] =	wrdreg s23  }
0x1a: {  	s3 =	sshll.u32 s3, $0x6;
	s25 =	sadd.s32 $0x5330C, s0;
	[dreg:$0x1b] =	wrdreg s24  }
0x1b: {  	s26 =	sadd.s32 $0x563E0, s0;
	s3 =	sor.u32 s3, s5;
	[dreg:$0x1c] =	wrdreg s25  }
0x1c: {  	s22 =	sshrl.u32 s4, $0x1;
	[dreg:$0x1d] =	wrdreg s26;
	s1 =	sadd.s32 s1, s3  }
0x1d: {  	s4 =	ssub.s32 s4, s22;
	s22 =	sadd.s32 $0x4A090, s0;
	[dreg:$0x15] =	wrdreg s1  }
0x1e: {  	s5 =	sadd.s32 s0, s3;
	s0 =	sadd.s32 $0x594B4, s0;
	[dreg:$0x19] =	wrdreg s22  }
0x1f: {  	[dreg:$0x1e] =	wrdreg s0  }
0x20: {  	s28 =	smax.u32 s4, $0x1;
	[smem:$0x7FC] =	sst s5  }
0x21: {  	s1 =	sadd.s32 $0x800, s5;
	[dreg:$0x1f] =	wrdreg s28  }
0x22: {  	s3 =	sadd.s32 $0x1000, s5;
	[smem:$0x7E4] =	sst s1  }
0x23: {  	s4 =	sadd.s32 $0x1800, s5;
	[smem:$0x7E5] =	sst s3  }
0x24: {  	s6 =	sadd.s32 $0x2000, s5;
	[smem:$0x7E6] =	sst s4  }
0x25: {  	s7 =	sadd.s32 $0x2800, s5;
	[smem:$0x7E7] =	sst s6  }
0x26: {  	s8 =	sadd.s32 $0x3000, s5;
	[smem:$0x7E8] =	sst s7  }
0x27: {  	s9 =	sadd.s32 $0x3800, s5;
	[smem:$0x7E9] =	sst s8  }
0x28: {  	s10 =	sadd.s32 $0x4000, s5;
	[smem:$0x7EA] =	sst s9  }
0x29: {  	s11 =	sadd.s32 $0x4800, s5;
	[smem:$0x7EB] =	sst s10  }
0x2a: {  	s12 =	sadd.s32 $0x5000, s5;
	[smem:$0x7EC] =	sst s11  }
0x2b: {  	s13 =	sadd.s32 $0x5800, s5;
	[smem:$0x7ED] =	sst s12  }
0x2c: {  	s14 =	sadd.s32 $0x6000, s5;
	[smem:$0x7EE] =	sst s13  }
0x2d: {  	s15 =	sadd.s32 $0x6800, s5;
	[smem:$0x7EF] =	sst s14  }
0x2e: {  	s16 =	sadd.s32 $0x7000, s5;
	[smem:$0x7F0] =	sst s15  }
0x2f: {  	s17 =	sadd.s32 $0x7800, s5;
	[smem:$0x7F1] =	sst s16  }
0x30: {  	s18 =	sadd.s32 $0x8000, s5;
	[smem:$0x7F2] =	sst s17  }
0x31: {  	s19 =	sadd.s32 $0x8800, s5;
	[smem:$0x7F3] =	sst s18  }
0x32: {  	s20 =	sadd.s32 $0x9000, s5;
	[smem:$0x7F4] =	sst s19  }
0x33: {  	s21 =	sadd.s32 $0x9800, s5;
	[smem:$0x7F5] =	sst s20  }
0x34: {  	s22 =	sadd.s32 $0xA000, s5;
	[smem:$0x7F6] =	sst s21  }
0x35: {  	s23 =	sadd.s32 $0xA800, s5;
	[smem:$0x7F7] =	sst s22  }
0x36: {  	s24 =	sadd.s32 $0xB000, s5;
	[smem:$0x7F8] =	sst s23  }
0x37: {  	s25 =	sadd.s32 $0xB800, s5;
	[smem:$0x7F9] =	sst s24  }
0x38: {  	s30 =	simm.s32 $0x200;
	s26 =	sadd.s32 $0xC000, s5;
	[smem:$0x7FA] =	sst s25  }
0x39: {  	s29 =	simm.s32 $0xA00;
	s31 =	simm.s32 $0x2800;
	[smem:$0x7FB] =	sst s26  }
0x3a: {  	s28 =	sadd.s32 $0xC800, s5;
	s1 =	simm.s32 $0x1;
	s24 =	simm.s32 $0x2  }
0x3b: {  	s3 =	simm.s32 $0x0;
	s8 =	simm.s32 $0xC00;
	s9 =	simm.s32 $0xE00  }
0x3c: {  	s10 =	simm.s32 $0x1000;
	s11 =	simm.s32 $0x1200;
	s12 =	simm.s32 $0x1400  }
0x3d: {  	s13 =	simm.s32 $0x1600;
	s14 =	simm.s32 $0x1800;
	s15 =	simm.s32 $0x1A00  }
0x3e: {  	s16 =	simm.s32 $0x1C00;
	s17 =	simm.s32 $0x1E00;
	s18 =	simm.s32 $0x2000  }
0x3f: {  	s19 =	simm.s32 $0x2200;
	s20 =	simm.s32 $0x2400;
	s21 =	simm.s32 $0x2600  }
0x40: {  	s22 =	simm.s32 $0x2A00;
	s23 =	simm.s32 $0x3200;
	[smem:$0x7FD] =	sst s28  }
.LBB2_1:
0x41: {  	s0 =	sld [smem:$0x7FC];
	_ =	sdelay $0x1  }
0x42: {  	s4 =	sld [smem:$0x7E4]  }
0x43: {  	[tilespmem:s2], [sflag:$0x1] =	stream.linear.gather [hbm4b:s0+s2], $0x200, $0x38;
	[tilespmem:$0x6A80] =	vst v63  }
0x44: {  	s26 =	sld [smem:$0x7E5]  }
0x45: {  	[tilespmem:s30], [sflag:$0x1] =	stream.linear.gather [hbm4b:s4+s2], $0x200, $0x38;
	[tilespmem:$0x6A80] =	vst v63  }
0x46: {  	s7 =	simm.s32 $0x400;
	s0 =	sld [smem:$0x7E6]  }
0x47: {  	[tilespmem:s7], [sflag:$0x1] =	stream.linear.gather [hbm4b:s26+s2], $0x200, $0x38;
	[tilespmem:$0x6A80] =	vst v63  }
0x48: {  	s5 =	sld [smem:$0x7E7];
	s26 =	simm.s32 $0x600  }
0x49: {  	[tilespmem:s26], [sflag:$0x1] =	stream.linear.gather [hbm4b:s0+s2], $0x200, $0x38;
	[tilespmem:$0x6A80] =	vst v63  }
0x4a: {  	s28 =	simm.s32 $0x800;
	s6 =	sld [smem:$0x7E8]  }
0x4b: {  	[tilespmem:s28], [sflag:$0x1] =	stream.linear.gather [hbm4b:s5+s2], $0x200, $0x38;
	[tilespmem:$0x6A80] =	vst v63  }
0x4c: {  	s0 =	sld [smem:$0x7E9]  }
0x4d: {  	[tilespmem:s29], [sflag:$0x1] =	stream.linear.gather [hbm4b:s6+s2], $0x200, $0x38;
	[tilespmem:$0x6A80] =	vst v63  }
0x4e: {  	s5 =	sld [smem:$0x7EA]  }
0x4f: {  	[tilespmem:s8], [sflag:$0x1] =	stream.linear.gather [hbm4b:s0+s2], $0x200, $0x38;
	[tilespmem:$0x6A80] =	vst v63  }
0x50: {  	s6 =	sld [smem:$0x7EB]  }
0x51: {  	[tilespmem:s9], [sflag:$0x1] =	stream.linear.gather [hbm4b:s5+s2], $0x200, $0x38;
	[tilespmem:$0x6A80] =	vst v63  }
0x52: {  	s0 =	sld [smem:$0x7EC]  }
0x53: {  	[tilespmem:s10], [sflag:$0x1] =	stream.linear.gather [hbm4b:s6+s2], $0x200, $0x38;
	[tilespmem:$0x6A80] =	vst v63  }
0x54: {  	s5 =	sld [smem:$0x7ED]  }
0x55: {  	[tilespmem:s11], [sflag:$0x1] =	stream.linear.gather [hbm4b:s0+s2], $0x200, $0x38;
	[tilespmem:$0x6A80] =	vst v63  }
0x56: {  	s6 =	sld [smem:$0x7EE]  }
0x57: {  	[tilespmem:s12], [sflag:$0x1] =	stream.linear.gather [hbm4b:s5+s2], $0x200, $0x38;
	[tilespmem:$0x6A80] =	vst v63  }
0x58: {  	s0 =	sld [smem:$0x7EF]  }
0x59: {  	[tilespmem:s13], [sflag:$0x1] =	stream.linear.gather [hbm4b:s6+s2], $0x200, $0x38;
	[tilespmem:$0x6A80] =	vst v63  }
0x5a: {  	s5 =	sld [smem:$0x7F0]  }
0x5b: {  	[tilespmem:s14], [sflag:$0x1] =	stream.linear.gather [hbm4b:s0+s2], $0x200, $0x38;
	[tilespmem:$0x6A80] =	vst v63  }
0x5c: {  	s6 =	sld [smem:$0x7F1]  }
0x5d: {  	[tilespmem:s15], [sflag:$0x1] =	stream.linear.gather [hbm4b:s5+s2], $0x200, $0x38;
	[tilespmem:$0x6A80] =	vst v63  }
0x5e: {  	s0 =	sld [smem:$0x7F2]  }
0x5f: {  	[tilespmem:s16], [sflag:$0x1] =	stream.linear.gather [hbm4b:s6+s2], $0x200, $0x38;
	[tilespmem:$0x6A80] =	vst v63  }
0x60: {  	s5 =	sld [smem:$0x7F3]  }
0x61: {  	[tilespmem:s17], [sflag:$0x1] =	stream.linear.gather [hbm4b:s0+s2], $0x200, $0x38;
	[tilespmem:$0x6A80] =	vst v63  }
0x62: {  	s6 =	sld [smem:$0x7F4]  }
0x63: {  	[tilespmem:s18], [sflag:$0x1] =	stream.linear.gather [hbm4b:s5+s2], $0x200, $0x38;
	[tilespmem:$0x6A80] =	vst v63  }
0x64: {  	s0 =	sld [smem:$0x7F5]  }
0x65: {  	[tilespmem:s19], [sflag:$0x1] =	stream.linear.gather [hbm4b:s6+s2], $0x200, $0x38;
	[tilespmem:$0x6A80] =	vst v63  }
0x66: {  	s5 =	sld [smem:$0x7F6]  }
0x67: {  	[tilespmem:s20], [sflag:$0x1] =	stream.linear.gather [hbm4b:s0+s2], $0x200, $0x38;
	[tilespmem:$0x6A80] =	vst v63  }
0x68: {  	s6 =	sld [smem:$0x7F7]  }
0x69: {  	[tilespmem:s21], [sflag:$0x1] =	stream.linear.gather [hbm4b:s5+s2], $0x200, $0x38;
	[tilespmem:$0x6A80] =	vst v63  }
0x6a: {  	s0 =	sld [smem:$0x7F8]  }
0x6b: {  	[tilespmem:s31], [sflag:$0x1] =	stream.linear.gather [hbm4b:s6+s2], $0x200, $0x38;
	[tilespmem:$0x6A80] =	vst v63  }
0x6c: {  	s5 =	sld [smem:$0x7F9]  }
0x6d: {  	[tilespmem:s22], [sflag:$0x1] =	stream.linear.gather [hbm4b:s0+s2], $0x200, $0x38;
	[tilespmem:$0x6A80] =	vst v63  }
0x6e: {  	s6 =	sld [smem:$0x7FA];
	s0 =	simm.s32 $0x2C00  }
0x6f: {  	[tilespmem:s0], [sflag:$0x1] =	stream.linear.gather [hbm4b:s5+s2], $0x200, $0x38;
	[tilespmem:$0x6A80] =	vst v63  }
0x70: {  	s5 =	simm.s32 $0x2E00  }
0x71: {  	[tilespmem:s5], [sflag:$0x1] =	stream.linear.gather [hbm4b:s6+s2], $0x200, $0x38;
	[tilespmem:$0x6A80] =	vst v63  }
0x72: {  	s6 =	sld [smem:$0x7FB];
	_ =	sdelay $0x1  }
0x73: {  	s5 =	simm.s32 $0x3000  }
0x74: {  	[tilespmem:s5], [sflag:$0x1] =	stream.linear.gather [hbm4b:s6+s2], $0x200, $0x38;
	[tilespmem:$0x6A80] =	vst v63  }
0x75: {  	s6 =	sld [smem:$0x7FD];
	_ =	sdelay $0x2  }
0x76: {  	[tilespmem:s23], [sflag:$0x1] =	stream.linear.gather [hbm4b:s6+s2], $0x200, $0x38;
	[tilespmem:$0x6A80] =	vst v63  }
0x77: {  	s25 =	simm.s32 $0x3;
	s4 =	rddreg [dreg:$0x4];
	s6 =	simm.s32 $0x6800  }
0x78: {  	[tilespmem:s6], [sflag:$0x3] =	stream.linear.gather [hbm4b:s4+s2], $0x80, $0x38;
	[tilespmem:$0x6A80] =	vst v63  }
0x79: {  	_ =	swait.ge [sflag:s25], $0x80  }
0x7a: {  	[sflag:s25] =	ssyncset.done $0x0  }
0x7b: {  	[sflag:s25] =	ssyncadd.s32 $0xFFFFFF80  }
0x7c: {  	v0 =	vld [tilespmem:$0x6800];
	_ =	swait.ge [sflag:s1], $0x200  }
0x7d: {  	[sflag:s1] =	ssyncset.done $0x0  }
0x7e: {  	[sflag:s1] =	ssyncadd.s32 $0xFFFFFE00  }
0x7f: {  	_ =	swait.ge [sflag:s1], $0x200  }
0x80: {  	[sflag:s1] =	ssyncset.done $0x0  }
0x81: {  	[sflag:s1] =	ssyncadd.s32 $0xFFFFFE00  }
0x82: {  	_ =	swait.ge [sflag:s1], $0x200  }
0x83: {  	[sflag:s1] =	ssyncset.done $0x0  }
0x84: {  	[sflag:s1] =	ssyncadd.s32 $0xFFFFFE00  }
0x85: {  	_ =	swait.ge [sflag:s1], $0x200  }
0x86: {  	[sflag:s1] =	ssyncset.done $0x0  }
0x87: {  	[sflag:s1] =	ssyncadd.s32 $0xFFFFFE00  }
0x88: {  	_ =	swait.ge [sflag:s1], $0x200  }
0x89: {  	[sflag:s1] =	ssyncset.done $0x0  }
0x8a: {  	[sflag:s1] =	ssyncadd.s32 $0xFFFFFE00  }
0x8b: {  	_ =	swait.ge [sflag:s1], $0x200  }
0x8c: {  	[sflag:s1] =	ssyncset.done $0x0  }
0x8d: {  	[sflag:s1] =	ssyncadd.s32 $0xFFFFFE00  }
0x8e: {  	_ =	swait.ge [sflag:s1], $0x200  }
0x8f: {  	[sflag:s1] =	ssyncset.done $0x0  }
0x90: {  	[sflag:s1] =	ssyncadd.s32 $0xFFFFFE00  }
0x91: {  	_ =	swait.ge [sflag:s1], $0x200  }
0x92: {  	[sflag:s1] =	ssyncset.done $0x0  }
0x93: {  	[sflag:s1] =	ssyncadd.s32 $0xFFFFFE00  }
0x94: {  	_ =	swait.ge [sflag:s1], $0x200  }
0x95: {  	[sflag:s1] =	ssyncset.done $0x0  }
0x96: {  	[sflag:s1] =	ssyncadd.s32 $0xFFFFFE00  }
0x97: {  	_ =	swait.ge [sflag:s1], $0x200  }
0x98: {  	[sflag:s1] =	ssyncset.done $0x0  }
0x99: {  	[sflag:s1] =	ssyncadd.s32 $0xFFFFFE00  }
0x9a: {  	_ =	swait.ge [sflag:s1], $0x200  }
0x9b: {  	[sflag:s1] =	ssyncset.done $0x0  }
0x9c: {  	[sflag:s1] =	ssyncadd.s32 $0xFFFFFE00  }
0x9d: {  	_ =	swait.ge [sflag:s1], $0x200  }
0x9e: {  	[sflag:s1] =	ssyncset.done $0x0  }
0x9f: {  	[sflag:s1] =	ssyncadd.s32 $0xFFFFFE00  }
0xa0: {  	_ =	swait.ge [sflag:s1], $0x200  }
0xa1: {  	[sflag:s1] =	ssyncset.done $0x0  }
0xa2: {  	[sflag:s1] =	ssyncadd.s32 $0xFFFFFE00  }
0xa3: {  	_ =	swait.ge [sflag:s1], $0x200  }
0xa4: {  	[sflag:s1] =	ssyncset.done $0x0  }
0xa5: {  	[sflag:s1] =	ssyncadd.s32 $0xFFFFFE00  }
0xa6: {  	_ =	swait.ge [sflag:s1], $0x200  }
0xa7: {  	[sflag:s1] =	ssyncset.done $0x0  }
0xa8: {  	[sflag:s1] =	ssyncadd.s32 $0xFFFFFE00  }
0xa9: {  	_ =	swait.ge [sflag:s1], $0x200  }
0xaa: {  	[sflag:s1] =	ssyncset.done $0x0  }
0xab: {  	[sflag:s1] =	ssyncadd.s32 $0xFFFFFE00  }
0xac: {  	_ =	swait.ge [sflag:s1], $0x200  }
0xad: {  	[sflag:s1] =	ssyncset.done $0x0  }
0xae: {  	[sflag:s1] =	ssyncadd.s32 $0xFFFFFE00  }
0xaf: {  	_ =	swait.ge [sflag:s1], $0x200  }
0xb0: {  	[sflag:s1] =	ssyncset.done $0x0  }
0xb1: {  	[sflag:s1] =	ssyncadd.s32 $0xFFFFFE00  }
0xb2: {  	_ =	swait.ge [sflag:s1], $0x200  }
0xb3: {  	[sflag:s1] =	ssyncset.done $0x0  }
0xb4: {  	[sflag:s1] =	ssyncadd.s32 $0xFFFFFE00  }
0xb5: {  	_ =	swait.ge [sflag:s1], $0x200  }
0xb6: {  	[sflag:s1] =	ssyncset.done $0x0  }
0xb7: {  	[sflag:s1] =	ssyncadd.s32 $0xFFFFFE00  }
0xb8: {  	_ =	swait.ge [sflag:s1], $0x200  }
0xb9: {  	[sflag:s1] =	ssyncset.done $0x0  }
0xba: {  	[sflag:s1] =	ssyncadd.s32 $0xFFFFFE00  }
0xbb: {  	_ =	swait.ge [sflag:s1], $0x200  }
0xbc: {  	[sflag:s1] =	ssyncset.done $0x0  }
0xbd: {  	[sflag:s1] =	ssyncadd.s32 $0xFFFFFE00  }
0xbe: {  	_ =	swait.ge [sflag:s1], $0x200  }
0xbf: {  	[sflag:s1] =	ssyncset.done $0x0  }
0xc0: {  	[sflag:s1] =	ssyncadd.s32 $0xFFFFFE00  }
0xc1: {  	_ =	swait.ge [sflag:s1], $0x200  }
0xc2: {  	[sflag:s1] =	ssyncset.done $0x0  }
0xc3: {  	[sflag:s1] =	ssyncadd.s32 $0xFFFFFE00  }
0xc4: {  	_ =	swait.ge [sflag:s1], $0x200  }
0xc5: {  	[sflag:s1] =	ssyncset.done $0x0  }
0xc6: {  	[sflag:s1] =	ssyncadd.s32 $0xFFFFFE00  }
0xc7: {  	_ =	swait.ge [sflag:s1], $0x200  }
0xc8: {  	[sflag:s1] =	ssyncset.done $0x0  }
0xc9: {  	s4 =	simm.s32 $0x3400;
	s25 =	rddreg [dreg:$0x3];
	[sflag:s1] =	ssyncadd.s32 $0xFFFFFE00  }
0xca: {  	[tilespmem:s4], [sflag:$0x2] =	stream.indirect.gather [hbm4b:s25+s30], $0x1, s2, s30, $0xb8;
	[tilespmem:$0x6A80] =	vst v63  }
0xcb: {  	s6 =	rddreg [dreg:$0x5];
	s25 =	simm.s32 $0x3600  }
0xcc: {  	[tilespmem:s25], [sflag:$0x2] =	stream.indirect.gather [hbm4b:s6+s30], $0x1, s30, s30, $0xb8;
	[tilespmem:$0x6A80] =	vst v63  }
0xcd: {  	s6 =	rddreg [dreg:$0x6];
	s25 =	simm.s32 $0x3800  }
0xce: {  	[tilespmem:s25], [sflag:$0x2] =	stream.indirect.gather [hbm4b:s6+s30], $0x1, s7, s30, $0xb8;
	[tilespmem:$0x6A80] =	vst v63  }
0xcf: {  	s7 =	rddreg [dreg:$0x7];
	s25 =	simm.s32 $0x3A00  }
0xd0: {  	[tilespmem:s25], [sflag:$0x2] =	stream.indirect.gather [hbm4b:s7+s30], $0x1, s26, s30, $0xb8;
	[tilespmem:$0x6A80] =	vst v63  }
0xd1: {  	s25 =	rddreg [dreg:$0x8];
	s26 =	simm.s32 $0x3C00  }
0xd2: {  	[tilespmem:s26], [sflag:$0x2] =	stream.indirect.gather [hbm4b:s25+s30], $0x1, s28, s30, $0xb8;
	[tilespmem:$0x6A80] =	vst v63  }
0xd3: {  	s25 =	rddreg [dreg:$0x9];
	s26 =	simm.s32 $0x3E00  }
0xd4: {  	[tilespmem:s26], [sflag:$0x2] =	stream.indirect.gather [hbm4b:s25+s30], $0x1, s29, s30, $0xb8;
	[tilespmem:$0x6A80] =	vst v63  }
0xd5: {  	s25 =	rddreg [dreg:$0xa];
	s26 =	simm.s32 $0x4000  }
0xd6: {  	[tilespmem:s26], [sflag:$0x2] =	stream.indirect.gather [hbm4b:s25+s30], $0x1, s8, s30, $0xb8;
	[tilespmem:$0x6A80] =	vst v63  }
0xd7: {  	s25 =	rddreg [dreg:$0xb];
	s26 =	simm.s32 $0x4200  }
0xd8: {  	[tilespmem:s26], [sflag:$0x2] =	stream.indirect.gather [hbm4b:s25+s30], $0x1, s9, s30, $0xb8;
	[tilespmem:$0x6A80] =	vst v63  }
0xd9: {  	s25 =	rddreg [dreg:$0xc];
	s26 =	simm.s32 $0x4400  }
0xda: {  	[tilespmem:s26], [sflag:$0x2] =	stream.indirect.gather [hbm4b:s25+s30], $0x1, s10, s30, $0xb8;
	[tilespmem:$0x6A80] =	vst v63  }
0xdb: {  	s25 =	rddreg [dreg:$0xd];
	s26 =	simm.s32 $0x4600  }
0xdc: {  	[tilespmem:s26], [sflag:$0x2] =	stream.indirect.gather [hbm4b:s25+s30], $0x1, s11, s30, $0xb8;
	[tilespmem:$0x6A80] =	vst v63  }
0xdd: {  	s25 =	rddreg [dreg:$0xe];
	s26 =	simm.s32 $0x4800  }
0xde: {  	[tilespmem:s26], [sflag:$0x2] =	stream.indirect.gather [hbm4b:s25+s30], $0x1, s12, s30, $0xb8;
	[tilespmem:$0x6A80] =	vst v63  }
0xdf: {  	s25 =	rddreg [dreg:$0xf];
	s26 =	simm.s32 $0x4A00  }
0xe0: {  	[tilespmem:s26], [sflag:$0x2] =	stream.indirect.gather [hbm4b:s25+s30], $0x1, s13, s30, $0xb8;
	[tilespmem:$0x6A80] =	vst v63  }
0xe1: {  	s25 =	rddreg [dreg:$0x10];
	s26 =	simm.s32 $0x4C00  }
0xe2: {  	[tilespmem:s26], [sflag:$0x2] =	stream.indirect.gather [hbm4b:s25+s30], $0x1, s14, s30, $0xb8;
	[tilespmem:$0x6A80] =	vst v63  }
0xe3: {  	s25 =	rddreg [dreg:$0x11];
	s26 =	simm.s32 $0x4E00  }
0xe4: {  	[tilespmem:s26], [sflag:$0x2] =	stream.indirect.gather [hbm4b:s25+s30], $0x1, s15, s30, $0xb8;
	[tilespmem:$0x6A80] =	vst v63  }
0xe5: {  	s25 =	rddreg [dreg:$0x12];
	s26 =	simm.s32 $0x5000  }
0xe6: {  	[tilespmem:s26], [sflag:$0x2] =	stream.indirect.gather [hbm4b:s25+s30], $0x1, s16, s30, $0xb8;
	[tilespmem:$0x6A80] =	vst v63  }
0xe7: {  	s25 =	rddreg [dreg:$0x13];
	s26 =	simm.s32 $0x5200  }
0xe8: {  	[tilespmem:s26], [sflag:$0x2] =	stream.indirect.gather [hbm4b:s25+s30], $0x1, s17, s30, $0xb8;
	[tilespmem:$0x6A80] =	vst v63  }
0xe9: {  	s25 =	rddreg [dreg:$0x14];
	s26 =	simm.s32 $0x5400  }
0xea: {  	[tilespmem:s26], [sflag:$0x2] =	stream.indirect.gather [hbm4b:s25+s30], $0x1, s18, s30, $0xb8;
	[tilespmem:$0x6A80] =	vst v63  }
0xeb: {  	s25 =	rddreg [dreg:$0x16];
	s26 =	simm.s32 $0x5600  }
0xec: {  	[tilespmem:s26], [sflag:$0x2] =	stream.indirect.gather [hbm4b:s25+s30], $0x1, s19, s30, $0xb8;
	[tilespmem:$0x6A80] =	vst v63  }
0xed: {  	s25 =	rddreg [dreg:$0x17];
	s26 =	simm.s32 $0x5800  }
0xee: {  	[tilespmem:s26], [sflag:$0x2] =	stream.indirect.gather [hbm4b:s25+s30], $0x1, s20, s30, $0xb8;
	[tilespmem:$0x6A80] =	vst v63  }
0xef: {  	s25 =	rddreg [dreg:$0x18];
	s26 =	simm.s32 $0x5A00  }
0xf0: {  	[tilespmem:s26], [sflag:$0x2] =	stream.indirect.gather [hbm4b:s25+s30], $0x1, s21, s30, $0xb8;
	[tilespmem:$0x6A80] =	vst v63  }
0xf1: {  	s25 =	rddreg [dreg:$0x19];
	s26 =	simm.s32 $0x5C00  }
0xf2: {  	[tilespmem:s26], [sflag:$0x2] =	stream.indirect.gather [hbm4b:s25+s30], $0x1, s31, s30, $0xb8;
	[tilespmem:$0x6A80] =	vst v63  }
0xf3: {  	s25 =	rddreg [dreg:$0x1a];
	s26 =	simm.s32 $0x5E00  }
0xf4: {  	[tilespmem:s26], [sflag:$0x2] =	stream.indirect.gather [hbm4b:s25+s30], $0x1, s22, s30, $0xb8;
	[tilespmem:$0x6A80] =	vst v63  }
0xf5: {  	s25 =	rddreg [dreg:$0x1b];
	s26 =	simm.s32 $0x6000  }
0xf6: {  	[tilespmem:s26], [sflag:$0x2] =	stream.indirect.gather [hbm4b:s25+s30], $0x1, s0, s30, $0xb8;
	[tilespmem:$0x6A80] =	vst v63  }
0xf7: {  	s7 =	rddreg [dreg:$0x1c];
	s25 =	simm.s32 $0x6200;
	s26 =	simm.s32 $0x2E00  }
0xf8: {  	[tilespmem:s25], [sflag:$0x2] =	stream.indirect.gather [hbm4b:s7+s30], $0x1, s26, s30, $0xb8;
	[tilespmem:$0x6A80] =	vst v63  }
0xf9: {  	s25 =	rddreg [dreg:$0x1d];
	s26 =	simm.s32 $0x6400  }
0xfa: {  	[tilespmem:s26], [sflag:$0x2] =	stream.indirect.gather [hbm4b:s25+s30], $0x1, s5, s30, $0xb8;
	[tilespmem:$0x6A80] =	vst v63  }
0xfb: {  	s7 =	rddreg [dreg:$0x1e];
	s25 =	simm.s32 $0x6600  }
0xfc: {  	[tilespmem:s25], [sflag:$0x2] =	stream.indirect.gather [hbm4b:s7+s30], $0x1, s23, s30, $0xb8;
	[tilespmem:$0x6A80] =	vst v63  }
0xfd: {  	_ =	swait.ge [sflag:s24], $0x200  }
0xfe: {  	[sflag:s24] =	ssyncset.done $0x0  }
0xff: {  	[sflag:s24] =	ssyncadd.s32 $0xFFFFFE00  }
0x100: {  	_ =	swait.ge [sflag:s24], $0x200  }
0x101: {  	[sflag:s24] =	ssyncset.done $0x0  }
0x102: {  	[sflag:s24] =	ssyncadd.s32 $0xFFFFFE00  }
0x103: {  	_ =	swait.ge [sflag:s24], $0x200  }
0x104: {  	[sflag:s24] =	ssyncset.done $0x0  }
0x105: {  	[sflag:s24] =	ssyncadd.s32 $0xFFFFFE00  }
0x106: {  	_ =	swait.ge [sflag:s24], $0x200  }
0x107: {  	[sflag:s24] =	ssyncset.done $0x0  }
0x108: {  	[sflag:s24] =	ssyncadd.s32 $0xFFFFFE00  }
0x109: {  	_ =	swait.ge [sflag:s24], $0x200  }
0x10a: {  	[sflag:s24] =	ssyncset.done $0x0  }
0x10b: {  	[sflag:s24] =	ssyncadd.s32 $0xFFFFFE00  }
0x10c: {  	_ =	swait.ge [sflag:s24], $0x200  }
0x10d: {  	[sflag:s24] =	ssyncset.done $0x0  }
0x10e: {  	[sflag:s24] =	ssyncadd.s32 $0xFFFFFE00  }
0x10f: {  	_ =	swait.ge [sflag:s24], $0x200  }
0x110: {  	[sflag:s24] =	ssyncset.done $0x0  }
0x111: {  	[sflag:s24] =	ssyncadd.s32 $0xFFFFFE00  }
0x112: {  	_ =	swait.ge [sflag:s24], $0x200  }
0x113: {  	[sflag:s24] =	ssyncset.done $0x0  }
0x114: {  	[sflag:s24] =	ssyncadd.s32 $0xFFFFFE00  }
0x115: {  	_ =	swait.ge [sflag:s24], $0x200  }
0x116: {  	[sflag:s24] =	ssyncset.done $0x0  }
0x117: {  	[sflag:s24] =	ssyncadd.s32 $0xFFFFFE00  }
0x118: {  	_ =	swait.ge [sflag:s24], $0x200  }
0x119: {  	[sflag:s24] =	ssyncset.done $0x0  }
0x11a: {  	[sflag:s24] =	ssyncadd.s32 $0xFFFFFE00  }
0x11b: {  	_ =	swait.ge [sflag:s24], $0x200  }
0x11c: {  	[sflag:s24] =	ssyncset.done $0x0  }
0x11d: {  	[sflag:s24] =	ssyncadd.s32 $0xFFFFFE00  }
0x11e: {  	_ =	swait.ge [sflag:s24], $0x200  }
0x11f: {  	[sflag:s24] =	ssyncset.done $0x0  }
0x120: {  	[sflag:s24] =	ssyncadd.s32 $0xFFFFFE00  }
0x121: {  	_ =	swait.ge [sflag:s24], $0x200  }
0x122: {  	[sflag:s24] =	ssyncset.done $0x0  }
0x123: {  	[sflag:s24] =	ssyncadd.s32 $0xFFFFFE00  }
0x124: {  	_ =	swait.ge [sflag:s24], $0x200  }
0x125: {  	[sflag:s24] =	ssyncset.done $0x0  }
0x126: {  	[sflag:s24] =	ssyncadd.s32 $0xFFFFFE00  }
0x127: {  	_ =	swait.ge [sflag:s24], $0x200  }
0x128: {  	[sflag:s24] =	ssyncset.done $0x0  }
0x129: {  	[sflag:s24] =	ssyncadd.s32 $0xFFFFFE00  }
0x12a: {  	_ =	swait.ge [sflag:s24], $0x200  }
0x12b: {  	[sflag:s24] =	ssyncset.done $0x0  }
0x12c: {  	[sflag:s24] =	ssyncadd.s32 $0xFFFFFE00  }
0x12d: {  	_ =	swait.ge [sflag:s24], $0x200  }
0x12e: {  	[sflag:s24] =	ssyncset.done $0x0  }
0x12f: {  	[sflag:s24] =	ssyncadd.s32 $0xFFFFFE00  }
0x130: {  	_ =	swait.ge [sflag:s24], $0x200  }
0x131: {  	[sflag:s24] =	ssyncset.done $0x0  }
0x132: {  	[sflag:s24] =	ssyncadd.s32 $0xFFFFFE00  }
0x133: {  	_ =	swait.ge [sflag:s24], $0x200  }
0x134: {  	[sflag:s24] =	ssyncset.done $0x0  }
0x135: {  	[sflag:s24] =	ssyncadd.s32 $0xFFFFFE00  }
0x136: {  	_ =	swait.ge [sflag:s24], $0x200  }
0x137: {  	[sflag:s24] =	ssyncset.done $0x0  }
0x138: {  	[sflag:s24] =	ssyncadd.s32 $0xFFFFFE00  }
0x139: {  	_ =	swait.ge [sflag:s24], $0x200  }
0x13a: {  	[sflag:s24] =	ssyncset.done $0x0  }
0x13b: {  	[sflag:s24] =	ssyncadd.s32 $0xFFFFFE00  }
0x13c: {  	_ =	swait.ge [sflag:s24], $0x200  }
0x13d: {  	[sflag:s24] =	ssyncset.done $0x0  }
0x13e: {  	[sflag:s24] =	ssyncadd.s32 $0xFFFFFE00  }
0x13f: {  	_ =	swait.ge [sflag:s24], $0x200  }
0x140: {  	[sflag:s24] =	ssyncset.done $0x0  }
0x141: {  	[sflag:s24] =	ssyncadd.s32 $0xFFFFFE00  }
0x142: {  	_ =	swait.ge [sflag:s24], $0x200  }
0x143: {  	[sflag:s24] =	ssyncset.done $0x0  }
0x144: {  	[sflag:s24] =	ssyncadd.s32 $0xFFFFFE00  }
0x145: {  	_ =	swait.ge [sflag:s24], $0x200  }
0x146: {  	[sflag:s24] =	ssyncset.done $0x0  }
0x147: {  	[sflag:s24] =	ssyncadd.s32 $0xFFFFFE00  }
0x148: {  	_ =	swait.ge [sflag:s24], $0x200  }
0x149: {  	[sflag:s24] =	ssyncset.done $0x0  }
0x14a: {  	[sflag:s24] =	ssyncadd.s32 $0xFFFFFE00  }
0x14b: {  	v1 =	vld [tilespmem:s4+$0x0]  }
0x14c: {  	s26 =	sand.u32 $0x1F0, s2  }
0x14d: {  	v2 =	vld [tilespmem:s26+$0x3600];
	_ =	sdelay $0x1  }
0x14e: {  	v3 =	vld [tilespmem:s26+$0x3800]  }
0x14f: {  	v1 =	vadd.f32 v1, v0  }
0x150: {  	v4 =	vld [tilespmem:s26+$0x3A00]  }
0x151: {  	v1 =	vadd.f32 v2, v1  }
0x152: {  	v2 =	vld [tilespmem:s26+$0x3C00]  }
0x153: {  	v1 =	vadd.f32 v3, v1  }
0x154: {  	v3 =	vld [tilespmem:s26+$0x3E00]  }
0x155: {  	v1 =	vadd.f32 v4, v1  }
0x156: {  	v57 =	vld [tilespmem:s26+$0x4000]  }
0x157: {  	v1 =	vadd.f32 v2, v1  }
0x158: {  	v2 =	vld [tilespmem:s26+$0x4200]  }
0x159: {  	v1 =	vadd.f32 v3, v1  }
0x15a: {  	v3 =	vld [tilespmem:s26+$0x4400]  }
0x15b: {  	v1 =	vadd.f32 v57, v1  }
0x15c: {  	v58 =	vld [tilespmem:s26+$0x4600]  }
0x15d: {  	v1 =	vadd.f32 v2, v1  }
0x15e: {  	v2 =	vld [tilespmem:s26+$0x4800]  }
0x15f: {  	v1 =	vadd.f32 v3, v1  }
0x160: {  	v3 =	vld [tilespmem:s26+$0x4A00]  }
0x161: {  	v1 =	vadd.f32 v58, v1  }
0x162: {  	v59 =	vld [tilespmem:s26+$0x4C00]  }
0x163: {  	v1 =	vadd.f32 v2, v1  }
0x164: {  	v2 =	vld [tilespmem:s26+$0x4E00]  }
0x165: {  	v1 =	vadd.f32 v3, v1  }
0x166: {  	v3 =	vld [tilespmem:s26+$0x5000]  }
0x167: {  	v1 =	vadd.f32 v59, v1  }
0x168: {  	v60 =	vld [tilespmem:s26+$0x5200]  }
0x169: {  	v1 =	vadd.f32 v2, v1  }
0x16a: {  	v2 =	vld [tilespmem:s26+$0x5400]  }
0x16b: {  	v1 =	vadd.f32 v3, v1  }
0x16c: {  	v3 =	vld [tilespmem:s26+$0x5600]  }
0x16d: {  	v1 =	vadd.f32 v60, v1  }
0x16e: {  	v61 =	vld [tilespmem:s26+$0x5800]  }
0x16f: {  	v1 =	vadd.f32 v2, v1  }
0x170: {  	v2 =	vld [tilespmem:s26+$0x5A00]  }
0x171: {  	v1 =	vadd.f32 v3, v1  }
0x172: {  	v3 =	vld [tilespmem:s26+$0x5C00]  }
0x173: {  	v1 =	vadd.f32 v61, v1  }
0x174: {  	v62 =	vld [tilespmem:s26+$0x5E00]  }
0x175: {  	v1 =	vadd.f32 v2, v1  }
0x176: {  	v2 =	vld [tilespmem:s26+$0x6000]  }
0x177: {  	v1 =	vadd.f32 v3, v1  }
0x178: {  	v3 =	vld [tilespmem:s26+$0x6200]  }
0x179: {  	v1 =	vadd.f32 v62, v1  }
0x17a: {  	v63 =	vld [tilespmem:s26+$0x6400]  }
0x17b: {  	v1 =	vadd.f32 v2, v1  }
0x17c: {  	v2 =	vld [tilespmem:s26+$0x6600]  }
0x17d: {  	v1 =	vadd.f32 v3, v1;
	_ =	sdelay $0x1  }
0x17e: {  	v1 =	vadd.f32 v63, v1;
	_ =	sdelay $0x1  }
0x17f: {  	v1 =	vadd.f32 v2, v1  }
0x180: {  	s5 =	simm.s32 $0x6880  }
0x181: {  	s26 =	simm.s32 $0x3410;
	[tilespmem:s5+$0x0] =	vst v1  }
0x182: {  	s6 =	simm.s32 $0x10;
	s28 =	simm.s32 $0x20;
	s4 =	simm.s32 $0x6880;
	v1 =	vld [tilespmem:s26+$0x0]  }
.LBB2_2:
0x183: {  	p0 =	sne.s32 s28, $0x1F0;
	s7 =	sand.u32 $0x1F0, s6;
	s6 =	smov.u32 s28  }
0x184: {  	v2 =	vld [tilespmem:s7+$0x3600];
	_ =	sdelay $0x1  }
0x185: {  	v3 =	vld [tilespmem:s7+$0x3800]  }
0x186: {  	v1 =	vadd.f32 v1, v0  }
0x187: {  	v4 =	vld [tilespmem:s7+$0x3A00]  }
0x188: {  	v1 =	vadd.f32 v2, v1  }
0x189: {  	v2 =	vld [tilespmem:s7+$0x3C00]  }
0x18a: {  	v1 =	vadd.f32 v3, v1  }
0x18b: {  	v3 =	vld [tilespmem:s7+$0x3E00]  }
0x18c: {  	v1 =	vadd.f32 v4, v1  }
0x18d: {  	v4 =	vld [tilespmem:s7+$0x4000]  }
0x18e: {  	v1 =	vadd.f32 v2, v1  }
0x18f: {  	v2 =	vld [tilespmem:s7+$0x4200]  }
0x190: {  	v1 =	vadd.f32 v3, v1  }
0x191: {  	v3 =	vld [tilespmem:s7+$0x4400]  }
0x192: {  	v1 =	vadd.f32 v4, v1  }
0x193: {  	v4 =	vld [tilespmem:s7+$0x4600]  }
0x194: {  	v1 =	vadd.f32 v2, v1  }
0x195: {  	v2 =	vld [tilespmem:s7+$0x4800]  }
0x196: {  	v1 =	vadd.f32 v3, v1  }
0x197: {  	v3 =	vld [tilespmem:s7+$0x4A00]  }
0x198: {  	v1 =	vadd.f32 v4, v1  }
0x199: {  	v4 =	vld [tilespmem:s7+$0x4C00]  }
0x19a: {  	v1 =	vadd.f32 v2, v1  }
0x19b: {  	v2 =	vld [tilespmem:s7+$0x4E00]  }
0x19c: {  	v1 =	vadd.f32 v3, v1  }
0x19d: {  	v3 =	vld [tilespmem:s7+$0x5000]  }
0x19e: {  	v1 =	vadd.f32 v4, v1  }
0x19f: {  	v4 =	vld [tilespmem:s7+$0x5200]  }
0x1a0: {  	v1 =	vadd.f32 v2, v1  }
0x1a1: {  	v2 =	vld [tilespmem:s7+$0x5400]  }
0x1a2: {  	v1 =	vadd.f32 v3, v1  }
0x1a3: {  	v3 =	vld [tilespmem:s7+$0x5600]  }
0x1a4: {  	v1 =	vadd.f32 v4, v1  }
0x1a5: {  	v4 =	vld [tilespmem:s7+$0x5800]  }
0x1a6: {  	v1 =	vadd.f32 v2, v1  }
0x1a7: {  	v2 =	vld [tilespmem:s7+$0x5A00]  }
0x1a8: {  	v1 =	vadd.f32 v3, v1  }
0x1a9: {  	v3 =	vld [tilespmem:s7+$0x5C00]  }
0x1aa: {  	v1 =	vadd.f32 v4, v1  }
0x1ab: {  	v4 =	vld [tilespmem:s7+$0x5E00]  }
0x1ac: {  	v1 =	vadd.f32 v2, v1  }
0x1ad: {  	v2 =	vld [tilespmem:s7+$0x6000]  }
0x1ae: {  	v1 =	vadd.f32 v3, v1  }
0x1af: {  	v3 =	vld [tilespmem:s7+$0x6200]  }
0x1b0: {  	v1 =	vadd.f32 v4, v1  }
0x1b1: {  	v4 =	vld [tilespmem:s7+$0x6400]  }
0x1b2: {  	v1 =	vadd.f32 v2, v1  }
0x1b3: {  	v2 =	vld [tilespmem:s7+$0x6600]  }
0x1b4: {  	v1 =	vadd.f32 v3, v1;
	_ =	sdelay $0x1  }
0x1b5: {  	v1 =	vadd.f32 v4, v1  }
.Ltmp0:
0x1b6: {  	(pc) =	sbr.rel @p0 .LBB2_2-.Ltmp0, $4  }
0x1b7: {  	v1 =	vadd.f32 v2, v1  }
0x1b8: {  	s4 =	sadd.s32 $0x10, s4  }
0x1b9: {  	s26 =	sadd.s32 $0x10, s26;
	[tilespmem:s4+$0x0] =	vst v1  }
0x1ba: {  	s28 =	sadd.s32 $0x10, s28;
	v1 =	vld [tilespmem:s26+$0x0]  }
0x1bb: {  	s6 =	sand.u32 $0x1F0, s6  }
0x1bc: {  	v2 =	vld [tilespmem:s6+$0x3600];
	_ =	sdelay $0x1  }
0x1bd: {  	v3 =	vld [tilespmem:s6+$0x3800]  }
0x1be: {  	v0 =	vadd.f32 v1, v0  }
0x1bf: {  	v41 =	vld [tilespmem:s6+$0x3A00]  }
0x1c0: {  	v0 =	vadd.f32 v2, v0  }
0x1c1: {  	v42 =	vld [tilespmem:s6+$0x3C00]  }
0x1c2: {  	v0 =	vadd.f32 v3, v0  }
0x1c3: {  	v43 =	vld [tilespmem:s6+$0x3E00]  }
0x1c4: {  	v0 =	vadd.f32 v41, v0  }
0x1c5: {  	v44 =	vld [tilespmem:s6+$0x4000]  }
0x1c6: {  	v0 =	vadd.f32 v42, v0  }
0x1c7: {  	v45 =	vld [tilespmem:s6+$0x4200]  }
0x1c8: {  	v0 =	vadd.f32 v43, v0  }
0x1c9: {  	v46 =	vld [tilespmem:s6+$0x4400]  }
0x1ca: {  	v0 =	vadd.f32 v44, v0  }
0x1cb: {  	v47 =	vld [tilespmem:s6+$0x4600]  }
0x1cc: {  	v0 =	vadd.f32 v45, v0  }
0x1cd: {  	v48 =	vld [tilespmem:s6+$0x4800]  }
0x1ce: {  	v0 =	vadd.f32 v46, v0  }
0x1cf: {  	v49 =	vld [tilespmem:s6+$0x4A00]  }
0x1d0: {  	v0 =	vadd.f32 v47, v0  }
0x1d1: {  	v50 =	vld [tilespmem:s6+$0x4C00]  }
0x1d2: {  	v0 =	vadd.f32 v48, v0  }
0x1d3: {  	v51 =	vld [tilespmem:s6+$0x4E00]  }
0x1d4: {  	v0 =	vadd.f32 v49, v0  }
0x1d5: {  	v52 =	vld [tilespmem:s6+$0x5000]  }
0x1d6: {  	v0 =	vadd.f32 v50, v0  }
0x1d7: {  	v53 =	vld [tilespmem:s6+$0x5200]  }
0x1d8: {  	v0 =	vadd.f32 v51, v0  }
0x1d9: {  	v54 =	vld [tilespmem:s6+$0x5400]  }
0x1da: {  	v0 =	vadd.f32 v52, v0  }
0x1db: {  	v55 =	vld [tilespmem:s6+$0x5600]  }
0x1dc: {  	v0 =	vadd.f32 v53, v0  }
0x1dd: {  	v56 =	vld [tilespmem:s6+$0x5800]  }
0x1de: {  	v0 =	vadd.f32 v54, v0  }
0x1df: {  	v57 =	vld [tilespmem:s6+$0x5A00]  }
0x1e0: {  	v0 =	vadd.f32 v55, v0  }
0x1e1: {  	v58 =	vld [tilespmem:s6+$0x5C00]  }
0x1e2: {  	v0 =	vadd.f32 v56, v0  }
0x1e3: {  	v59 =	vld [tilespmem:s6+$0x5E00]  }
0x1e4: {  	v0 =	vadd.f32 v57, v0  }
0x1e5: {  	v60 =	vld [tilespmem:s6+$0x6000]  }
0x1e6: {  	v0 =	vadd.f32 v58, v0  }
0x1e7: {  	v61 =	vld [tilespmem:s6+$0x6200]  }
0x1e8: {  	v0 =	vadd.f32 v59, v0  }
0x1e9: {  	v62 =	vld [tilespmem:s6+$0x6400]  }
0x1ea: {  	v0 =	vadd.f32 v60, v0  }
0x1eb: {  	v63 =	vld [tilespmem:s6+$0x6600]  }
0x1ec: {  	v0 =	vadd.f32 v61, v0;
	_ =	sdelay $0x1  }
0x1ed: {  	v0 =	vadd.f32 v62, v0;
	_ =	sdelay $0x1  }
0x1ee: {  	v0 =	vadd.f32 v63, v0  }
0x1ef: {  	s4 =	sadd.s32 $0x10, s4  }
0x1f0: {  	s26 =	rddreg [dreg:$0x15];
	s0 =	simm.s32 $0x3;
	[tilespmem:s4+$0x0] =	vst v0  }
0x1f1: {  	[hbm4b:s26+s2] =	stream.linear.scatter [tilespmem:s5], [sflag:$0x3], $0x200, $0x38;
	[tilespmem:$0x6A80] =	vst v63  }
0x1f2: {  	_ =	swait.ge [sflag:s0], $0x200  }
0x1f3: {  	s3 =	sadd.s32 $0x1, s3;
	s28 =	rddreg [dreg:$0x1f]  }
0x1f4: {  	p0 =	sne.s32 s3, s28  }
.Ltmp1:
0x1f5: {  	_ = 	snop;
	(pc) =	sbr.rel @p0 .LBB2_1-.Ltmp1, $3  }
0x1f6: {  	_ =	sdelay $0x1  }
0x1f7: {  	[sflag:s0] =	ssyncset.done $0x0  }
0x1f8: {  	[sflag:s0] =	ssyncadd.s32 $0xFFFFFE00  }
0x1f9: {  	_ =	sfence.sel $0x180000  }
0x1fa: {  	[bflag:$0x0] =	sbarrier.arrive $0xFFFF  }
0x1fb: {  	_ =	strace $0x90000047  }
0x1fc: {  	s0 =	stileid.u32;
	[bflag:$0x2] =	sbarrier.arrive $0xFFFF  }
0x1fd: {  	p0 =	sne.s32 s0, $0x0;
	s0 =	rddreg [dreg:$0x2]  }
0x1fe: {  	s0 =	sadd.s32 @!p0 $0x100000, s0  }
0x1ff: {  	[sflag:s0] =	ssyncadd.tile.s32 @!p0 $0x1;
	_ =	shalt  }
.Lfunc_end2:
_tile_overlayer_lowered:
.L_overlay_start_2:
0x200: {  	(tag) =	ssettag $0x2  }
0x201: {  	s0 =	rddreg [dreg:$0x0];
	s2 =	stileid.u32  }
0x202: {  	s1 =	rddreg [dreg:$0x1];
	p0 =	sne.s32 s2, $0x0  }
0x203: {  	s3 =	rddreg [dreg:$0x2];
	[bflag:$0x3] =	sbarrier.arrive $0xFFFF;
	s2 =	simm.s32 @!p0 $0x1C03  }
0x204: {  	[timem:s3], [sflag:s2] =	dma.local @!p0 [hbm:s0], s1  }
0x205: {  	s0 =	simm.s32 @!p0 $0x3  }
0x206: {  	_ =	swait.ge @!p0 [sflag:s0], s1  }
0x207: {  	s1 =	ssub.s32 @!p0 $0x0, s1;
	[sflag:s0] =	ssyncset.done @!p0 $0x0  }
0x208: {  	[sflag:s0] =	ssyncadd.s32 @!p0 s1  }
0x209: {  	[bflag:$0x3] =	sbarrier.arrive $0xFFFF  }
0x20a: {  	_ =	shalt  }

</sc_bundles>
